<compile_context>
chip_gen: v7x
topology: tpu7x:2x2x1
jax: 0.10.2.dev20260603
libtpu: 0.0.44.dev20260713+nightly
codegen_flags: <defaults>
</compile_context>

<pallas_src>
import functools

import jax
import jax.numpy as jnp
from jax import lax
from jax.experimental import pallas as pl
from jax.experimental.pallas import tpu as pltpu
from jax.experimental.pallas import tpu_sc as plsc

N_ROWS = 1_000_000
N_COLS = 64
TOTAL = N_ROWS * N_COLS
LANES = 16

NUM_WORKERS = 32
PER_WORKER = TOTAL // NUM_WORKERS
CHUNK = 40_000
N_CHUNKS = PER_WORKER // CHUNK
NBUF = 3
N_MAIN = N_CHUNKS - 2
assert N_MAIN % NBUF == 0


def _make_sc_kernel():
    info = plsc.get_sparse_core_info()
    nc = info.num_cores

    @functools.partial(
        pl.kernel,
        out_type=jax.ShapeDtypeStruct((TOTAL,), jnp.float32),
        mesh=plsc.VectorSubcoreMesh(core_axis_name="c", subcore_axis_name="s"),
        scratch_types=[
            pltpu.VMEM((CHUNK,), jnp.float32),
            pltpu.VMEM((CHUNK,), jnp.float32),
            pltpu.VMEM((CHUNK,), jnp.float32),
            pltpu.SemaphoreType.DMA,
            pltpu.SemaphoreType.DMA,
            pltpu.SemaphoreType.DMA,
            pltpu.SemaphoreType.DMA,
            pltpu.SemaphoreType.DMA,
            pltpu.SemaphoreType.DMA,
        ],
    )
    def add_one_scatter(x_hbm, out_hbm, b0, b1, b2, l0, l1, l2, s0, s1, s2):
        bufs = (b0, b1, b2)
        lsems = (l0, l1, l2)
        ssems = (s0, s1, s2)
        wid = lax.axis_index("s") * nc + lax.axis_index("c")
        base = wid * PER_WORKER

        def start_load(i, b):
            pltpu.async_copy(
                x_hbm.at[pl.ds(base + i * CHUNK, CHUNK)], bufs[b], lsems[b]
            )

        def start_store(i, b):
            pltpu.async_copy(
                bufs[b], out_hbm.at[pl.ds(base + i * CHUNK, CHUNK)], ssems[b]
            )

        def wait_load(b):
            pltpu.make_async_copy(
                x_hbm.at[pl.ds(0, CHUNK)], bufs[b], lsems[b]
            ).wait()

        def wait_store(b):
            pltpu.make_async_copy(
                bufs[b], out_hbm.at[pl.ds(0, CHUNK)], ssems[b]
            ).wait()

        def compute(i, b):
            def vec_body(j, _):
                sl = pl.ds(j * LANES, LANES)
                bufs[b][sl] = bufs[b][sl] + 1.0
                return 0

            lax.fori_loop(0, CHUNK // LANES, vec_body, 0, unroll=8)

            @pl.when(jnp.logical_and(wid == 0, i == 0))
            def _():
                twos = jnp.full((LANES,), 2.0, dtype=jnp.float32)
                for sft in range(4):
                    bufs[b][pl.ds(64 + sft * LANES, LANES)] = twos

        for b in range(NBUF):
            start_load(b, b)

        def group_body(g, _):
            i0 = g * NBUF
            for b in range(NBUF):
                i = i0 + b
                bn = (b + 2) % NBUF
                @pl.when(i >= 1)
                def _():
                    wait_store(bn)

                start_load(i + 2, bn)
                wait_load(b)
                compute(i, b)
                start_store(i, b)
            return 0

        lax.fori_loop(0, N_MAIN // NBUF, group_body, 0)

        for k in range(2):
            i = N_MAIN + k
            wait_load(i % NBUF)
            compute(i, i % NBUF)
            start_store(i, i % NBUF)
        for b in range(NBUF):
            wait_store(b)

    return add_one_scatter


_sc_add_one = _make_sc_kernel()


@jax.jit
def kernel(x):
    out_flat = _sc_add_one(x.reshape(TOTAL))
    return out_flat.reshape(N_ROWS, N_COLS)

# --- scband reference (transcript-rebuilt; emitter-appended) ---
"""Pipeline reference for scband-idx-model-scatter-11879879542657 (READ-ONLY COPY).

The authoritative reference and input builder live on the scoring server;
editing this copy changes nothing except your own understanding.
"""

import jax, jax.numpy as jnp
import numpy as np


def setup_inputs(seed: int = 0) -> dict:
    key = jax.random.key(seed)
    x = jax.random.normal(key, (1000000, 64), dtype=jnp.float32)
    return {"x": x}


def reference(x):
    # b = torch.ones(x.shape[1:])
    b = jnp.ones(x.shape[1:], dtype=x.dtype)
    # idx = [1] expanded over x.shape[1:], unsqueezed -> scatter_ along dim 0
    # overwrites row 1 of x with ones
    x = x.at[1].set(b)
    # x += 1.0
    x = x + 1.0
    return x

if __name__ == "__main__":
    import jax
    _d = setup_inputs()
    print(jax.jit(kernel)(*tuple(_d.values())))

</pallas_src>

<mosaic_0001>
#map = affine_map<(d0, d1) -> (0)>
module attributes {stable_mosaic.version = 14 : i64} {
  func.func @add_one_scatter(%arg0: i32, %arg1: i32, %arg2: memref<64000000xf32, #tpu.memory_space<hbm>>, %arg3: memref<64000000xf32, #tpu.memory_space<hbm>>, %arg4: memref<40000xf32, #tpu.memory_space<vmem>>, %arg5: memref<40000xf32, #tpu.memory_space<vmem>>, %arg6: memref<40000xf32, #tpu.memory_space<vmem>>, %arg7: memref<!tpu.dma_semaphore, #tpu.memory_space<semaphore_mem>>, %arg8: memref<!tpu.dma_semaphore, #tpu.memory_space<semaphore_mem>>, %arg9: memref<!tpu.dma_semaphore, #tpu.memory_space<semaphore_mem>>, %arg10: memref<!tpu.dma_semaphore, #tpu.memory_space<semaphore_mem>>, %arg11: memref<!tpu.dma_semaphore, #tpu.memory_space<semaphore_mem>>, %arg12: memref<!tpu.dma_semaphore, #tpu.memory_space<semaphore_mem>>) attributes {dimension_semantics = [#tpu.dimension_semantics<core_parallel>, #tpu.dimension_semantics<subcore_parallel>], iteration_bounds = array<i64: 2, 16>, scalar_prefetch = 0 : i64, scratch_operands = 9 : i64, tpu.core_type = #tpu.core_type<sc_vector_subcore>, window_params = [{transform_indices = #map}, {transform_indices = #map}]} {
    %mul3A = arith.constant 2 : i32
    %mul3A_0 = arith.muli %arg1, %mul3A : i32
    %add3A = arith.addi %mul3A_0, %arg0 : i32
    %mul3A_1 = arith.constant 2000000 : i32
    %mul3A_2 = arith.muli %add3A, %mul3A_1 : i32
    %add3A_3 = arith.constant 0 : i32
    %add3A_4 = arith.addi %mul3A_2, %add3A_3 : i32
    %dma_start3A = tpu.memref_slice %arg2[%add3A_4] : memref<64000000xf32, #tpu.memory_space<hbm>> -> memref<40000xf32, #tpu.memory_space<hbm>>
    %dma_start3A_5 = tpu.memref_slice %arg2[%add3A_4] : memref<64000000xf32, #tpu.memory_space<hbm>> -> memref<40000xf32, #tpu.memory_space<hbm>>
    tpu.enqueue_dma source(%dma_start3A_5 : memref<40000xf32, #tpu.memory_space<hbm>>) target(%arg4 : memref<40000xf32, #tpu.memory_space<vmem>>) target_semaphore(%arg7 : memref<!tpu.dma_semaphore, #tpu.memory_space<semaphore_mem>>)
    %add3A_6 = arith.constant 40000 : i32
    %add3A_7 = arith.addi %mul3A_2, %add3A_6 : i32
    %dma_start3A_8 = tpu.memref_slice %arg2[%add3A_7] : memref<64000000xf32, #tpu.memory_space<hbm>> -> memref<40000xf32, #tpu.memory_space<hbm>>
    %dma_start3A_9 = tpu.memref_slice %arg2[%add3A_7] : memref<64000000xf32, #tpu.memory_space<hbm>> -> memref<40000xf32, #tpu.memory_space<hbm>>
    tpu.enqueue_dma source(%dma_start3A_9 : memref<40000xf32, #tpu.memory_space<hbm>>) target(%arg5 : memref<40000xf32, #tpu.memory_space<vmem>>) target_semaphore(%arg8 : memref<!tpu.dma_semaphore, #tpu.memory_space<semaphore_mem>>)
    %add3A_10 = arith.constant 80000 : i32
    %add3A_11 = arith.addi %mul3A_2, %add3A_10 : i32
    %dma_start3A_12 = tpu.memref_slice %arg2[%add3A_11] : memref<64000000xf32, #tpu.memory_space<hbm>> -> memref<40000xf32, #tpu.memory_space<hbm>>
    %dma_start3A_13 = tpu.memref_slice %arg2[%add3A_11] : memref<64000000xf32, #tpu.memory_space<hbm>> -> memref<40000xf32, #tpu.memory_space<hbm>>
    tpu.enqueue_dma source(%dma_start3A_13 : memref<40000xf32, #tpu.memory_space<hbm>>) target(%arg6 : memref<40000xf32, #tpu.memory_space<vmem>>) target_semaphore(%arg9 : memref<!tpu.dma_semaphore, #tpu.memory_space<semaphore_mem>>)
    %scan3A = arith.constant 0 : i32
    %scan3A_14 = arith.constant 0 : i32
    %scan3A_15 = arith.constant 16 : i32
    %scan3A_16 = arith.addi %scan3A_14, %scan3A_15 : i32
    %scan3A_17 = arith.constant 1 : i32
    %scan3A_18 = scf.for %scan3A_189 = %scan3A_14 to %scan3A_16 step %scan3A_17 iter_args(%scan3A_190 = %scan3A) -> (i32)  : i32 {
      %mul3A_191 = arith.constant 3 : i32
      %mul3A_192 = arith.muli %scan3A_189, %mul3A_191 : i32
      %add3A_193 = arith.constant 0 : i32
      %add3A_194 = arith.addi %mul3A_192, %add3A_193 : i32
      %ge3A = arith.constant 1 : i32
      %ge3A_195 = arith.cmpi sge, %add3A_194, %ge3A : i32
      %convert_element_type3A_196 = arith.extui %ge3A_195 : i1 to i32
      %cond3A_197 = arith.constant 0 : i32
      %cond3A_198 = arith.cmpi ne, %convert_element_type3A_196, %cond3A_197 : i32
      scf.if %cond3A_198 {
        %dma_wait3A_487 = arith.constant 0 : i32
        %dma_wait3A_488 = tpu.memref_slice %arg3[%dma_wait3A_487] : memref<64000000xf32, #tpu.memory_space<hbm>> -> memref<40000xf32, #tpu.memory_space<hbm>>
        %dma_wait3A_489 = arith.constant 0 : i32
        %dma_wait3A_490 = tpu.memref_slice %arg3[%dma_wait3A_489] : memref<64000000xf32, #tpu.memory_space<hbm>> -> memref<40000xf32, #tpu.memory_space<hbm>>
        tpu.wait_dma2 semaphore(%arg12 : memref<!tpu.dma_semaphore, #tpu.memory_space<semaphore_mem>>) src(%arg6 : memref<40000xf32, #tpu.memory_space<vmem>>) dst(%dma_wait3A_490 : memref<40000xf32, #tpu.memory_space<hbm>>)
      } else {
      }
      %add3A_199 = arith.constant 2 : i32
      %add3A_200 = arith.addi %add3A_194, %add3A_199 : i32
      %mul3A_201 = arith.constant 40000 : i32
      %mul3A_202 = arith.muli %add3A_200, %mul3A_201 : i32
      %add3A_203 = arith.addi %mul3A_2, %mul3A_202 : i32
      %dma_start3A_204 = tpu.memref_slice %arg2[%add3A_203] : memref<64000000xf32, #tpu.memory_space<hbm>> -> memref<40000xf32, #tpu.memory_space<hbm>>
      %dma_start3A_205 = tpu.memref_slice %arg2[%add3A_203] : memref<64000000xf32, #tpu.memory_space<hbm>> -> memref<40000xf32, #tpu.memory_space<hbm>>
      tpu.enqueue_dma source(%dma_start3A_205 : memref<40000xf32, #tpu.memory_space<hbm>>) target(%arg6 : memref<40000xf32, #tpu.memory_space<vmem>>) target_semaphore(%arg9 : memref<!tpu.dma_semaphore, #tpu.memory_space<semaphore_mem>>)
      %dma_wait3A_206 = arith.constant 0 : i32
      %dma_wait3A_207 = tpu.memref_slice %arg2[%dma_wait3A_206] : memref<64000000xf32, #tpu.memory_space<hbm>> -> memref<40000xf32, #tpu.memory_space<hbm>>
      %dma_wait3A_208 = arith.constant 0 : i32
      %dma_wait3A_209 = tpu.memref_slice %arg2[%dma_wait3A_208] : memref<64000000xf32, #tpu.memory_space<hbm>> -> memref<40000xf32, #tpu.memory_space<hbm>>
      tpu.wait_dma2 semaphore(%arg7 : memref<!tpu.dma_semaphore, #tpu.memory_space<semaphore_mem>>) src(%dma_wait3A_209 : memref<40000xf32, #tpu.memory_space<hbm>>) dst(%arg4 : memref<40000xf32, #tpu.memory_space<vmem>>)
      %scan3A_210 = arith.constant 0 : i32
      %scan3A_211 = arith.constant 0 : i32
      %scan3A_212 = arith.constant 2496 : i32
      %scan3A_213 = arith.addi %scan3A_211, %scan3A_212 : i32
      %scan3A_214 = arith.constant 8 : i32
      %scan3A_215 = scf.for %scan3A_487 = %scan3A_211 to %scan3A_213 step %scan3A_214 iter_args(%scan3A_488 = %scan3A_210) -> (i32)  : i32 {
        %mul3A_489 = arith.constant 16 : i32
        %mul3A_490 = arith.muli %scan3A_487, %mul3A_489 : i32
        %get3A_491 = arith.index_cast %mul3A_490 : i32 to index
        %get3A_492 = tpu.vector_load %arg4[%get3A_491] {strides = array<i32>} : memref<40000xf32, #tpu.memory_space<vmem>>, vector<16xf32>,
        %get3A_493 = vector.shape_cast %get3A_492 : vector<16xf32> to vector<16xf32>
        %add3A_494 = arith.constant 1.000000e+00 : f32
        %add3A_495 = vector.broadcast %add3A_494 : f32 to vector<16xf32>
        %add3A_496 = arith.addf %get3A_493, %add3A_495 : vector<16xf32>
        %swap3A_497 = arith.index_cast %mul3A_490 : i32 to index
        %swap3A_498 = tpu.vector_load %arg4[%swap3A_497] {strides = array<i32>} : memref<40000xf32, #tpu.memory_space<vmem>>, vector<16xf32>,
        %swap3A_499 = vector.shape_cast %swap3A_498 : vector<16xf32> to vector<16xf32>
        %swap3A_500 = vector.shape_cast %add3A_496 : vector<16xf32> to vector<16xf32>
        tpu.vector_store %arg4[%swap3A_497], %swap3A_500 {strides = array<i32>} : memref<40000xf32, #tpu.memory_space<vmem>>, vector<16xf32>,
        %scan3A_501 = arith.constant 0 : i32
        %scan3A_502 = arith.constant 1 : i32
        %scan3A_503 = arith.addi %scan3A_487, %scan3A_502 : i32
        %mul3A_504 = arith.constant 16 : i32
        %mul3A_505 = arith.muli %scan3A_503, %mul3A_504 : i32
        %get3A_506 = arith.index_cast %mul3A_505 : i32 to index
        %get3A_507 = tpu.vector_load %arg4[%get3A_506] {strides = array<i32>} : memref<40000xf32, #tpu.memory_space<vmem>>, vector<16xf32>,
        %get3A_508 = vector.shape_cast %get3A_507 : vector<16xf32> to vector<16xf32>
        %add3A_509 = arith.constant 1.000000e+00 : f32
        %add3A_510 = vector.broadcast %add3A_509 : f32 to vector<16xf32>
        %add3A_511 = arith.addf %get3A_508, %add3A_510 : vector<16xf32>
        %swap3A_512 = arith.index_cast %mul3A_505 : i32 to index
        %swap3A_513 = tpu.vector_load %arg4[%swap3A_512] {strides = array<i32>} : memref<40000xf32, #tpu.memory_space<vmem>>, vector<16xf32>,
        %swap3A_514 = vector.shape_cast %swap3A_513 : vector<16xf32> to vector<16xf32>
        %swap3A_515 = vector.shape_cast %add3A_511 : vector<16xf32> to vector<16xf32>
        tpu.vector_store %arg4[%swap3A_512], %swap3A_515 {strides = array<i32>} : memref<40000xf32, #tpu.memory_space<vmem>>, vector<16xf32>,
        %scan3A_516 = arith.constant 0 : i32
        %scan3A_517 = arith.constant 2 : i32
        %scan3A_518 = arith.addi %scan3A_487, %scan3A_517 : i32
        %mul3A_519 = arith.constant 16 : i32
        %mul3A_520 = arith.muli %scan3A_518, %mul3A_519 : i32
        %get3A_521 = arith.index_cast %mul3A_520 : i32 to index
        %get3A_522 = tpu.vector_load %arg4[%get3A_521] {strides = array<i32>} : memref<40000xf32, #tpu.memory_space<vmem>>, vector<16xf32>,
        %get3A_523 = vector.shape_cast %get3A_522 : vector<16xf32> to vector<16xf32>
        %add3A_524 = arith.constant 1.000000e+00 : f32
        %add3A_525 = vector.broadcast %add3A_524 : f32 to vector<16xf32>
        %add3A_526 = arith.addf %get3A_523, %add3A_525 : vector<16xf32>
        %swap3A_527 = arith.index_cast %mul3A_520 : i32 to index
        %swap3A_528 = tpu.vector_load %arg4[%swap3A_527] {strides = array<i32>} : memref<40000xf32, #tpu.memory_space<vmem>>, vector<16xf32>,
        %swap3A_529 = vector.shape_cast %swap3A_528 : vector<16xf32> to vector<16xf32>
        %swap3A_530 = vector.shape_cast %add3A_526 : vector<16xf32> to vector<16xf32>
        tpu.vector_store %arg4[%swap3A_527], %swap3A_530 {strides = array<i32>} : memref<40000xf32, #tpu.memory_space<vmem>>, vector<16xf32>,
        %scan3A_531 = arith.constant 0 : i32
        %scan3A_532 = arith.constant 3 : i32
        %scan3A_533 = arith.addi %scan3A_487, %scan3A_532 : i32
        %mul3A_534 = arith.constant 16 : i32
        %mul3A_535 = arith.muli %scan3A_533, %mul3A_534 : i32
        %get3A_536 = arith.index_cast %mul3A_535 : i32 to index
        %get3A_537 = tpu.vector_load %arg4[%get3A_536] {strides = array<i32>} : memref<40000xf32, #tpu.memory_space<vmem>>, vector<16xf32>,
        %get3A_538 = vector.shape_cast %get3A_537 : vector<16xf32> to vector<16xf32>
        %add3A_539 = arith.constant 1.000000e+00 : f32
        %add3A_540 = vector.broadcast %add3A_539 : f32 to vector<16xf32>
        %add3A_541 = arith.addf %get3A_538, %add3A_540 : vector<16xf32>
        %swap3A_542 = arith.index_cast %mul3A_535 : i32 to index
        %swap3A_543 = tpu.vector_load %arg4[%swap3A_542] {strides = array<i32>} : memref<40000xf32, #tpu.memory_space<vmem>>, vector<16xf32>,
        %swap3A_544 = vector.shape_cast %swap3A_543 : vector<16xf32> to vector<16xf32>
        %swap3A_545 = vector.shape_cast %add3A_541 : vector<16xf32> to vector<16xf32>
        tpu.vector_store %arg4[%swap3A_542], %swap3A_545 {strides = array<i32>} : memref<40000xf32, #tpu.memory_space<vmem>>, vector<16xf32>,
        %scan3A_546 = arith.constant 0 : i32
        %scan3A_547 = arith.constant 4 : i32
        %scan3A_548 = arith.addi %scan3A_487, %scan3A_547 : i32
        %mul3A_549 = arith.constant 16 : i32
        %mul3A_550 = arith.muli %scan3A_548, %mul3A_549 : i32
        %get3A_551 = arith.index_cast %mul3A_550 : i32 to index
        %get3A_552 = tpu.vector_load %arg4[%get3A_551] {strides = array<i32>} : memref<40000xf32, #tpu.memory_space<vmem>>, vector<16xf32>,
        %get3A_553 = vector.shape_cast %get3A_552 : vector<16xf32> to vector<16xf32>
        %add3A_554 = arith.constant 1.000000e+00 : f32
        %add3A_555 = vector.broadcast %add3A_554 : f32 to vector<16xf32>
        %add3A_556 = arith.addf %get3A_553, %add3A_555 : vector<16xf32>
        %swap3A_557 = arith.index_cast %mul3A_550 : i32 to index
        %swap3A_558 = tpu.vector_load %arg4[%swap3A_557] {strides = array<i32>} : memref<40000xf32, #tpu.memory_space<vmem>>, vector<16xf32>,
        %swap3A_559 = vector.shape_cast %swap3A_558 : vector<16xf32> to vector<16xf32>
        %swap3A_560 = vector.shape_cast %add3A_556 : vector<16xf32> to vector<16xf32>
        tpu.vector_store %arg4[%swap3A_557], %swap3A_560 {strides = array<i32>} : memref<40000xf32, #tpu.memory_space<vmem>>, vector<16xf32>,
        %scan3A_561 = arith.constant 0 : i32
        %scan3A_562 = arith.constant 5 : i32
        %scan3A_563 = arith.addi %scan3A_487, %scan3A_562 : i32
        %mul3A_564 = arith.constant 16 : i32
        %mul3A_565 = arith.muli %scan3A_563, %mul3A_564 : i32
        %get3A_566 = arith.index_cast %mul3A_565 : i32 to index
        %get3A_567 = tpu.vector_load %arg4[%get3A_566] {strides = array<i32>} : memref<40000xf32, #tpu.memory_space<vmem>>, vector<16xf32>,
        %get3A_568 = vector.shape_cast %get3A_567 : vector<16xf32> to vector<16xf32>
        %add3A_569 = arith.constant 1.000000e+00 : f32
        %add3A_570 = vector.broadcast %add3A_569 : f32 to vector<16xf32>
        %add3A_571 = arith.addf %get3A_568, %add3A_570 : vector<16xf32>
        %swap3A_572 = arith.index_cast %mul3A_565 : i32 to index
        %swap3A_573 = tpu.vector_load %arg4[%swap3A_572] {strides = array<i32>} : memref<40000xf32, #tpu.memory_space<vmem>>, vector<16xf32>,
        %swap3A_574 = vector.shape_cast %swap3A_573 : vector<16xf32> to vector<16xf32>
        %swap3A_575 = vector.shape_cast %add3A_571 : vector<16xf32> to vector<16xf32>
        tpu.vector_store %arg4[%swap3A_572], %swap3A_575 {strides = array<i32>} : memref<40000xf32, #tpu.memory_space<vmem>>, vector<16xf32>,
        %scan3A_576 = arith.constant 0 : i32
        %scan3A_577 = arith.constant 6 : i32
        %scan3A_578 = arith.addi %scan3A_487, %scan3A_577 : i32
        %mul3A_579 = arith.constant 16 : i32
        %mul3A_580 = arith.muli %scan3A_578, %mul3A_579 : i32
        %get3A_581 = arith.index_cast %mul3A_580 : i32 to index
        %get3A_582 = tpu.vector_load %arg4[%get3A_581] {strides = array<i32>} : memref<40000xf32, #tpu.memory_space<vmem>>, vector<16xf32>,
        %get3A_583 = vector.shape_cast %get3A_582 : vector<16xf32> to vector<16xf32>
        %add3A_584 = arith.constant 1.000000e+00 : f32
        %add3A_585 = vector.broadcast %add3A_584 : f32 to vector<16xf32>
        %add3A_586 = arith.addf %get3A_583, %add3A_585 : vector<16xf32>
        %swap3A_587 = arith.index_cast %mul3A_580 : i32 to index
        %swap3A_588 = tpu.vector_load %arg4[%swap3A_587] {strides = array<i32>} : memref<40000xf32, #tpu.memory_space<vmem>>, vector<16xf32>,
        %swap3A_589 = vector.shape_cast %swap3A_588 : vector<16xf32> to vector<16xf32>
        %swap3A_590 = vector.shape_cast %add3A_586 : vector<16xf32> to vector<16xf32>
        tpu.vector_store %arg4[%swap3A_587], %swap3A_590 {strides = array<i32>} : memref<40000xf32, #tpu.memory_space<vmem>>, vector<16xf32>,
        %scan3A_591 = arith.constant 0 : i32
        %scan3A_592 = arith.constant 7 : i32
        %scan3A_593 = arith.addi %scan3A_487, %scan3A_592 : i32
        %mul3A_594 = arith.constant 16 : i32
        %mul3A_595 = arith.muli %scan3A_593, %mul3A_594 : i32
        %get3A_596 = arith.index_cast %mul3A_595 : i32 to index
        %get3A_597 = tpu.vector_load %arg4[%get3A_596] {strides = array<i32>} : memref<40000xf32, #tpu.memory_space<vmem>>, vector<16xf32>,
        %get3A_598 = vector.shape_cast %get3A_597 : vector<16xf32> to vector<16xf32>
        %add3A_599 = arith.constant 1.000000e+00 : f32
        %add3A_600 = vector.broadcast %add3A_599 : f32 to vector<16xf32>
        %add3A_601 = arith.addf %get3A_598, %add3A_600 : vector<16xf32>
        %swap3A_602 = arith.index_cast %mul3A_595 : i32 to index
        %swap3A_603 = tpu.vector_load %arg4[%swap3A_602] {strides = array<i32>} : memref<40000xf32, #tpu.memory_space<vmem>>, vector<16xf32>,
        %swap3A_604 = vector.shape_cast %swap3A_603 : vector<16xf32> to vector<16xf32>
        %swap3A_605 = vector.shape_cast %add3A_601 : vector<16xf32> to vector<16xf32>
        tpu.vector_store %arg4[%swap3A_602], %swap3A_605 {strides = array<i32>} : memref<40000xf32, #tpu.memory_space<vmem>>, vector<16xf32>,
        %scan3A_606 = arith.constant 0 : i32
        scf.yield %scan3A_606 : i32
      }
      %scan3A_216 = arith.constant 2496 : i32
      %scan3A_217 = arith.addi %scan3A_211, %scan3A_216 : i32
      %mul3A_218 = arith.constant 16 : i32
      %mul3A_219 = arith.muli %scan3A_217, %mul3A_218 : i32
      %get3A_220 = arith.index_cast %mul3A_219 : i32 to index
      %get3A_221 = tpu.vector_load %arg4[%get3A_220] {strides = array<i32>} : memref<40000xf32, #tpu.memory_space<vmem>>, vector<16xf32>,
      %get3A_222 = vector.shape_cast %get3A_221 : vector<16xf32> to vector<16xf32>
      %add3A_223 = arith.constant 1.000000e+00 : f32
      %add3A_224 = vector.broadcast %add3A_223 : f32 to vector<16xf32>
      %add3A_225 = arith.addf %get3A_222, %add3A_224 : vector<16xf32>
      %swap3A_226 = arith.index_cast %mul3A_219 : i32 to index
      %swap3A_227 = tpu.vector_load %arg4[%swap3A_226] {strides = array<i32>} : memref<40000xf32, #tpu.memory_space<vmem>>, vector<16xf32>,
      %swap3A_228 = vector.shape_cast %swap3A_227 : vector<16xf32> to vector<16xf32>
      %swap3A_229 = vector.shape_cast %add3A_225 : vector<16xf32> to vector<16xf32>
      tpu.vector_store %arg4[%swap3A_226], %swap3A_229 {strides = array<i32>} : memref<40000xf32, #tpu.memory_space<vmem>>, vector<16xf32>,
      %scan3A_230 = arith.constant 0 : i32
      %scan3A_231 = arith.constant 2497 : i32
      %scan3A_232 = arith.addi %scan3A_211, %scan3A_231 : i32
      %mul3A_233 = arith.constant 16 : i32
      %mul3A_234 = arith.muli %scan3A_232, %mul3A_233 : i32
      %get3A_235 = arith.index_cast %mul3A_234 : i32 to index
      %get3A_236 = tpu.vector_load %arg4[%get3A_235] {strides = array<i32>} : memref<40000xf32, #tpu.memory_space<vmem>>, vector<16xf32>,
      %get3A_237 = vector.shape_cast %get3A_236 : vector<16xf32> to vector<16xf32>
      %add3A_238 = arith.constant 1.000000e+00 : f32
      %add3A_239 = vector.broadcast %add3A_238 : f32 to vector<16xf32>
      %add3A_240 = arith.addf %get3A_237, %add3A_239 : vector<16xf32>
      %swap3A_241 = arith.index_cast %mul3A_234 : i32 to index
      %swap3A_242 = tpu.vector_load %arg4[%swap3A_241] {strides = array<i32>} : memref<40000xf32, #tpu.memory_space<vmem>>, vector<16xf32>,
      %swap3A_243 = vector.shape_cast %swap3A_242 : vector<16xf32> to vector<16xf32>
      %swap3A_244 = vector.shape_cast %add3A_240 : vector<16xf32> to vector<16xf32>
      tpu.vector_store %arg4[%swap3A_241], %swap3A_244 {strides = array<i32>} : memref<40000xf32, #tpu.memory_space<vmem>>, vector<16xf32>,
      %scan3A_245 = arith.constant 0 : i32
      %scan3A_246 = arith.constant 2498 : i32
      %scan3A_247 = arith.addi %scan3A_211, %scan3A_246 : i32
      %mul3A_248 = arith.constant 16 : i32
      %mul3A_249 = arith.muli %scan3A_247, %mul3A_248 : i32
      %get3A_250 = arith.index_cast %mul3A_249 : i32 to index
      %get3A_251 = tpu.vector_load %arg4[%get3A_250] {strides = array<i32>} : memref<40000xf32, #tpu.memory_space<vmem>>, vector<16xf32>,
      %get3A_252 = vector.shape_cast %get3A_251 : vector<16xf32> to vector<16xf32>
      %add3A_253 = arith.constant 1.000000e+00 : f32
      %add3A_254 = vector.broadcast %add3A_253 : f32 to vector<16xf32>
      %add3A_255 = arith.addf %get3A_252, %add3A_254 : vector<16xf32>
      %swap3A_256 = arith.index_cast %mul3A_249 : i32 to index
      %swap3A_257 = tpu.vector_load %arg4[%swap3A_256] {strides = array<i32>} : memref<40000xf32, #tpu.memory_space<vmem>>, vector<16xf32>,
      %swap3A_258 = vector.shape_cast %swap3A_257 : vector<16xf32> to vector<16xf32>
      %swap3A_259 = vector.shape_cast %add3A_255 : vector<16xf32> to vector<16xf32>
      tpu.vector_store %arg4[%swap3A_256], %swap3A_259 {strides = array<i32>} : memref<40000xf32, #tpu.memory_space<vmem>>, vector<16xf32>,
      %scan3A_260 = arith.constant 0 : i32
      %scan3A_261 = arith.constant 2499 : i32
      %scan3A_262 = arith.addi %scan3A_211, %scan3A_261 : i32
      %mul3A_263 = arith.constant 16 : i32
      %mul3A_264 = arith.muli %scan3A_262, %mul3A_263 : i32
      %get3A_265 = arith.index_cast %mul3A_264 : i32 to index
      %get3A_266 = tpu.vector_load %arg4[%get3A_265] {strides = array<i32>} : memref<40000xf32, #tpu.memory_space<vmem>>, vector<16xf32>,
      %get3A_267 = vector.shape_cast %get3A_266 : vector<16xf32> to vector<16xf32>
      %add3A_268 = arith.constant 1.000000e+00 : f32
      %add3A_269 = vector.broadcast %add3A_268 : f32 to vector<16xf32>
      %add3A_270 = arith.addf %get3A_267, %add3A_269 : vector<16xf32>
      %swap3A_271 = arith.index_cast %mul3A_264 : i32 to index
      %swap3A_272 = tpu.vector_load %arg4[%swap3A_271] {strides = array<i32>} : memref<40000xf32, #tpu.memory_space<vmem>>, vector<16xf32>,
      %swap3A_273 = vector.shape_cast %swap3A_272 : vector<16xf32> to vector<16xf32>
      %swap3A_274 = vector.shape_cast %add3A_270 : vector<16xf32> to vector<16xf32>
      tpu.vector_store %arg4[%swap3A_271], %swap3A_274 {strides = array<i32>} : memref<40000xf32, #tpu.memory_space<vmem>>, vector<16xf32>,
      %scan3A_275 = arith.constant 0 : i32
      %scan3A_276 = arith.constant 2500 : i32
      %eq3A_277 = arith.constant 0 : i32
      %eq3A_278 = arith.cmpi eq, %add3A, %eq3A_277 : i32
      %eq3A_279 = arith.constant 0 : i32
      %eq3A_280 = arith.cmpi eq, %add3A_194, %eq3A_279 : i32
      %and3A_281 = arith.andi %eq3A_278, %eq3A_280 : i1
      %convert_element_type3A_282 = arith.extui %and3A_281 : i1 to i32
      %cond3A_283 = arith.constant 0 : i32
      %cond3A_284 = arith.cmpi ne, %convert_element_type3A_282, %cond3A_283 : i32
      scf.if %cond3A_284 {
        %broadcast_in_dim3A = arith.constant 2.000000e+00 : f32
        %broadcast_in_dim3A_487 = vector.broadcast %broadcast_in_dim3A : f32 to vector<16xf32>
        %swap3A_488 = arith.constant 64 : index
        %swap3A_489 = tpu.vector_load %arg4[%swap3A_488] {strides = array<i32>} : memref<40000xf32, #tpu.memory_space<vmem>>, vector<16xf32>,
        %swap3A_490 = vector.shape_cast %swap3A_489 : vector<16xf32> to vector<16xf32>
        %swap3A_491 = vector.shape_cast %broadcast_in_dim3A_487 : vector<16xf32> to vector<16xf32>
        tpu.vector_store %arg4[%swap3A_488], %swap3A_491 {strides = array<i32>} : memref<40000xf32, #tpu.memory_space<vmem>>, vector<16xf32>,
        %swap3A_492 = arith.constant 80 : index
        %swap3A_493 = tpu.vector_load %arg4[%swap3A_492] {strides = array<i32>} : memref<40000xf32, #tpu.memory_space<vmem>>, vector<16xf32>,
        %swap3A_494 = vector.shape_cast %swap3A_493 : vector<16xf32> to vector<16xf32>
        %swap3A_495 = vector.shape_cast %broadcast_in_dim3A_487 : vector<16xf32> to vector<16xf32>
        tpu.vector_store %arg4[%swap3A_492], %swap3A_495 {strides = array<i32>} : memref<40000xf32, #tpu.memory_space<vmem>>, vector<16xf32>,
        %swap3A_496 = arith.constant 96 : index
        %swap3A_497 = tpu.vector_load %arg4[%swap3A_496] {strides = array<i32>} : memref<40000xf32, #tpu.memory_space<vmem>>, vector<16xf32>,
        %swap3A_498 = vector.shape_cast %swap3A_497 : vector<16xf32> to vector<16xf32>
        %swap3A_499 = vector.shape_cast %broadcast_in_dim3A_487 : vector<16xf32> to vector<16xf32>
        tpu.vector_store %arg4[%swap3A_496], %swap3A_499 {strides = array<i32>} : memref<40000xf32, #tpu.memory_space<vmem>>, vector<16xf32>,
        %swap3A_500 = arith.constant 112 : index
        %swap3A_501 = tpu.vector_load %arg4[%swap3A_500] {strides = array<i32>} : memref<40000xf32, #tpu.memory_space<vmem>>, vector<16xf32>,
        %swap3A_502 = vector.shape_cast %swap3A_501 : vector<16xf32> to vector<16xf32>
        %swap3A_503 = vector.shape_cast %broadcast_in_dim3A_487 : vector<16xf32> to vector<16xf32>
        tpu.vector_store %arg4[%swap3A_500], %swap3A_503 {strides = array<i32>} : memref<40000xf32, #tpu.memory_space<vmem>>, vector<16xf32>,
      } else {
      }
      %mul3A_285 = arith.constant 40000 : i32
      %mul3A_286 = arith.muli %add3A_194, %mul3A_285 : i32
      %add3A_287 = arith.addi %mul3A_2, %mul3A_286 : i32
      %dma_start3A_288 = tpu.memref_slice %arg3[%add3A_287] : memref<64000000xf32, #tpu.memory_space<hbm>> -> memref<40000xf32, #tpu.memory_space<hbm>>
      %dma_start3A_289 = tpu.memref_slice %arg3[%add3A_287] : memref<64000000xf32, #tpu.memory_space<hbm>> -> memref<40000xf32, #tpu.memory_space<hbm>>
      tpu.enqueue_dma source(%arg4 : memref<40000xf32, #tpu.memory_space<vmem>>) target(%dma_start3A_289 : memref<40000xf32, #tpu.memory_space<hbm>>) target_semaphore(%arg10 : memref<!tpu.dma_semaphore, #tpu.memory_space<semaphore_mem>>)
      %add3A_290 = arith.constant 1 : i32
      %add3A_291 = arith.addi %mul3A_192, %add3A_290 : i32
      %ge3A_292 = arith.constant 1 : i32
      %ge3A_293 = arith.cmpi sge, %add3A_291, %ge3A_292 : i32
      %convert_element_type3A_294 = arith.extui %ge3A_293 : i1 to i32
      %cond3A_295 = arith.constant 0 : i32
      %cond3A_296 = arith.cmpi ne, %convert_element_type3A_294, %cond3A_295 : i32
      scf.if %cond3A_296 {
        %dma_wait3A_487 = arith.constant 0 : i32
        %dma_wait3A_488 = tpu.memref_slice %arg3[%dma_wait3A_487] : memref<64000000xf32, #tpu.memory_space<hbm>> -> memref<40000xf32, #tpu.memory_space<hbm>>
        %dma_wait3A_489 = arith.constant 0 : i32
        %dma_wait3A_490 = tpu.memref_slice %arg3[%dma_wait3A_489] : memref<64000000xf32, #tpu.memory_space<hbm>> -> memref<40000xf32, #tpu.memory_space<hbm>>
        tpu.wait_dma2 semaphore(%arg10 : memref<!tpu.dma_semaphore, #tpu.memory_space<semaphore_mem>>) src(%arg4 : memref<40000xf32, #tpu.memory_space<vmem>>) dst(%dma_wait3A_490 : memref<40000xf32, #tpu.memory_space<hbm>>)
      } else {
      }
      %add3A_297 = arith.constant 2 : i32
      %add3A_298 = arith.addi %add3A_291, %add3A_297 : i32
      %mul3A_299 = arith.constant 40000 : i32
      %mul3A_300 = arith.muli %add3A_298, %mul3A_299 : i32
      %add3A_301 = arith.addi %mul3A_2, %mul3A_300 : i32
      %dma_start3A_302 = tpu.memref_slice %arg2[%add3A_301] : memref<64000000xf32, #tpu.memory_space<hbm>> -> memref<40000xf32, #tpu.memory_space<hbm>>
      %dma_start3A_303 = tpu.memref_slice %arg2[%add3A_301] : memref<64000000xf32, #tpu.memory_space<hbm>> -> memref<40000xf32, #tpu.memory_space<hbm>>
      tpu.enqueue_dma source(%dma_start3A_303 : memref<40000xf32, #tpu.memory_space<hbm>>) target(%arg4 : memref<40000xf32, #tpu.memory_space<vmem>>) target_semaphore(%arg7 : memref<!tpu.dma_semaphore, #tpu.memory_space<semaphore_mem>>)
      %dma_wait3A_304 = arith.constant 0 : i32
      %dma_wait3A_305 = tpu.memref_slice %arg2[%dma_wait3A_304] : memref<64000000xf32, #tpu.memory_space<hbm>> -> memref<40000xf32, #tpu.memory_space<hbm>>
      %dma_wait3A_306 = arith.constant 0 : i32
      %dma_wait3A_307 = tpu.memref_slice %arg2[%dma_wait3A_306] : memref<64000000xf32, #tpu.memory_space<hbm>> -> memref<40000xf32, #tpu.memory_space<hbm>>
      tpu.wait_dma2 semaphore(%arg8 : memref<!tpu.dma_semaphore, #tpu.memory_space<semaphore_mem>>) src(%dma_wait3A_307 : memref<40000xf32, #tpu.memory_space<hbm>>) dst(%arg5 : memref<40000xf32, #tpu.memory_space<vmem>>)
      %scan3A_308 = arith.constant 0 : i32
      %scan3A_309 = arith.constant 0 : i32
      %scan3A_310 = arith.constant 2496 : i32
      %scan3A_311 = arith.addi %scan3A_309, %scan3A_310 : i32
      %scan3A_312 = arith.constant 8 : i32
      %scan3A_313 = scf.for %scan3A_487 = %scan3A_309 to %scan3A_311 step %scan3A_312 iter_args(%scan3A_488 = %scan3A_308) -> (i32)  : i32 {
        %mul3A_489 = arith.constant 16 : i32
        %mul3A_490 = arith.muli %scan3A_487, %mul3A_489 : i32
        %get3A_491 = arith.index_cast %mul3A_490 : i32 to index
        %get3A_492 = tpu.vector_load %arg5[%get3A_491] {strides = array<i32>} : memref<40000xf32, #tpu.memory_space<vmem>>, vector<16xf32>,
        %get3A_493 = vector.shape_cast %get3A_492 : vector<16xf32> to vector<16xf32>
        %add3A_494 = arith.constant 1.000000e+00 : f32
        %add3A_495 = vector.broadcast %add3A_494 : f32 to vector<16xf32>
        %add3A_496 = arith.addf %get3A_493, %add3A_495 : vector<16xf32>
        %swap3A_497 = arith.index_cast %mul3A_490 : i32 to index
        %swap3A_498 = tpu.vector_load %arg5[%swap3A_497] {strides = array<i32>} : memref<40000xf32, #tpu.memory_space<vmem>>, vector<16xf32>,
        %swap3A_499 = vector.shape_cast %swap3A_498 : vector<16xf32> to vector<16xf32>
        %swap3A_500 = vector.shape_cast %add3A_496 : vector<16xf32> to vector<16xf32>
        tpu.vector_store %arg5[%swap3A_497], %swap3A_500 {strides = array<i32>} : memref<40000xf32, #tpu.memory_space<vmem>>, vector<16xf32>,
        %scan3A_501 = arith.constant 0 : i32
        %scan3A_502 = arith.constant 1 : i32
        %scan3A_503 = arith.addi %scan3A_487, %scan3A_502 : i32
        %mul3A_504 = arith.constant 16 : i32
        %mul3A_505 = arith.muli %scan3A_503, %mul3A_504 : i32
        %get3A_506 = arith.index_cast %mul3A_505 : i32 to index
        %get3A_507 = tpu.vector_load %arg5[%get3A_506] {strides = array<i32>} : memref<40000xf32, #tpu.memory_space<vmem>>, vector<16xf32>,
        %get3A_508 = vector.shape_cast %get3A_507 : vector<16xf32> to vector<16xf32>
        %add3A_509 = arith.constant 1.000000e+00 : f32
        %add3A_510 = vector.broadcast %add3A_509 : f32 to vector<16xf32>
        %add3A_511 = arith.addf %get3A_508, %add3A_510 : vector<16xf32>
        %swap3A_512 = arith.index_cast %mul3A_505 : i32 to index
        %swap3A_513 = tpu.vector_load %arg5[%swap3A_512] {strides = array<i32>} : memref<40000xf32, #tpu.memory_space<vmem>>, vector<16xf32>,
        %swap3A_514 = vector.shape_cast %swap3A_513 : vector<16xf32> to vector<16xf32>
        %swap3A_515 = vector.shape_cast %add3A_511 : vector<16xf32> to vector<16xf32>
        tpu.vector_store %arg5[%swap3A_512], %swap3A_515 {strides = array<i32>} : memref<40000xf32, #tpu.memory_space<vmem>>, vector<16xf32>,
        %scan3A_516 = arith.constant 0 : i32
        %scan3A_517 = arith.constant 2 : i32
        %scan3A_518 = arith.addi %scan3A_487, %scan3A_517 : i32
        %mul3A_519 = arith.constant 16 : i32
        %mul3A_520 = arith.muli %scan3A_518, %mul3A_519 : i32
        %get3A_521 = arith.index_cast %mul3A_520 : i32 to index
        %get3A_522 = tpu.vector_load %arg5[%get3A_521] {strides = array<i32>} : memref<40000xf32, #tpu.memory_space<vmem>>, vector<16xf32>,
        %get3A_523 = vector.shape_cast %get3A_522 : vector<16xf32> to vector<16xf32>
        %add3A_524 = arith.constant 1.000000e+00 : f32
        %add3A_525 = vector.broadcast %add3A_524 : f32 to vector<16xf32>
        %add3A_526 = arith.addf %get3A_523, %add3A_525 : vector<16xf32>
        %swap3A_527 = arith.index_cast %mul3A_520 : i32 to index
        %swap3A_528 = tpu.vector_load %arg5[%swap3A_527] {strides = array<i32>} : memref<40000xf32, #tpu.memory_space<vmem>>, vector<16xf32>,
        %swap3A_529 = vector.shape_cast %swap3A_528 : vector<16xf32> to vector<16xf32>
        %swap3A_530 = vector.shape_cast %add3A_526 : vector<16xf32> to vector<16xf32>
        tpu.vector_store %arg5[%swap3A_527], %swap3A_530 {strides = array<i32>} : memref<40000xf32, #tpu.memory_space<vmem>>, vector<16xf32>,
        %scan3A_531 = arith.constant 0 : i32
        %scan3A_532 = arith.constant 3 : i32
        %scan3A_533 = arith.addi %scan3A_487, %scan3A_532 : i32
        %mul3A_534 = arith.constant 16 : i32
        %mul3A_535 = arith.muli %scan3A_533, %mul3A_534 : i32
        %get3A_536 = arith.index_cast %mul3A_535 : i32 to index
        %get3A_537 = tpu.vector_load %arg5[%get3A_536] {strides = array<i32>} : memref<40000xf32, #tpu.memory_space<vmem>>, vector<16xf32>,
        %get3A_538 = vector.shape_cast %get3A_537 : vector<16xf32> to vector<16xf32>
        %add3A_539 = arith.constant 1.000000e+00 : f32
        %add3A_540 = vector.broadcast %add3A_539 : f32 to vector<16xf32>
        %add3A_541 = arith.addf %get3A_538, %add3A_540 : vector<16xf32>
        %swap3A_542 = arith.index_cast %mul3A_535 : i32 to index
        %swap3A_543 = tpu.vector_load %arg5[%swap3A_542] {strides = array<i32>} : memref<40000xf32, #tpu.memory_space<vmem>>, vector<16xf32>,
        %swap3A_544 = vector.shape_cast %swap3A_543 : vector<16xf32> to vector<16xf32>
        %swap3A_545 = vector.shape_cast %add3A_541 : vector<16xf32> to vector<16xf32>
        tpu.vector_store %arg5[%swap3A_542], %swap3A_545 {strides = array<i32>} : memref<40000xf32, #tpu.memory_space<vmem>>, vector<16xf32>,
        %scan3A_546 = arith.constant 0 : i32
        %scan3A_547 = arith.constant 4 : i32
        %scan3A_548 = arith.addi %scan3A_487, %scan3A_547 : i32
        %mul3A_549 = arith.constant 16 : i32
        %mul3A_550 = arith.muli %scan3A_548, %mul3A_549 : i32
        %get3A_551 = arith.index_cast %mul3A_550 : i32 to index
        %get3A_552 = tpu.vector_load %arg5[%get3A_551] {strides = array<i32>} : memref<40000xf32, #tpu.memory_space<vmem>>, vector<16xf32>,
        %get3A_553 = vector.shape_cast %get3A_552 : vector<16xf32> to vector<16xf32>
        %add3A_554 = arith.constant 1.000000e+00 : f32
        %add3A_555 = vector.broadcast %add3A_554 : f32 to vector<16xf32>
        %add3A_556 = arith.addf %get3A_553, %add3A_555 : vector<16xf32>
        %swap3A_557 = arith.index_cast %mul3A_550 : i32 to index
        %swap3A_558 = tpu.vector_load %arg5[%swap3A_557] {strides = array<i32>} : memref<40000xf32, #tpu.memory_space<vmem>>, vector<16xf32>,
        %swap3A_559 = vector.shape_cast %swap3A_558 : vector<16xf32> to vector<16xf32>
        %swap3A_560 = vector.shape_cast %add3A_556 : vector<16xf32> to vector<16xf32>
        tpu.vector_store %arg5[%swap3A_557], %swap3A_560 {strides = array<i32>} : memref<40000xf32, #tpu.memory_space<vmem>>, vector<16xf32>,
        %scan3A_561 = arith.constant 0 : i32
        %scan3A_562 = arith.constant 5 : i32
        %scan3A_563 = arith.addi %scan3A_487, %scan3A_562 : i32
        %mul3A_564 = arith.constant 16 : i32
        %mul3A_565 = arith.muli %scan3A_563, %mul3A_564 : i32
        %get3A_566 = arith.index_cast %mul3A_565 : i32 to index
        %get3A_567 = tpu.vector_load %arg5[%get3A_566] {strides = array<i32>} : memref<40000xf32, #tpu.memory_space<vmem>>, vector<16xf32>,
        %get3A_568 = vector.shape_cast %get3A_567 : vector<16xf32> to vector<16xf32>
        %add3A_569 = arith.constant 1.000000e+00 : f32
        %add3A_570 = vector.broadcast %add3A_569 : f32 to vector<16xf32>
        %add3A_571 = arith.addf %get3A_568, %add3A_570 : vector<16xf32>
        %swap3A_572 = arith.index_cast %mul3A_565 : i32 to index
        %swap3A_573 = tpu.vector_load %arg5[%swap3A_572] {strides = array<i32>} : memref<40000xf32, #tpu.memory_space<vmem>>, vector<16xf32>,
        %swap3A_574 = vector.shape_cast %swap3A_573 : vector<16xf32> to vector<16xf32>
        %swap3A_575 = vector.shape_cast %add3A_571 : vector<16xf32> to vector<16xf32>
        tpu.vector_store %arg5[%swap3A_572], %swap3A_575 {strides = array<i32>} : memref<40000xf32, #tpu.memory_space<vmem>>, vector<16xf32>,
        %scan3A_576 = arith.constant 0 : i32
        %scan3A_577 = arith.constant 6 : i32
        %scan3A_578 = arith.addi %scan3A_487, %scan3A_577 : i32
        %mul3A_579 = arith.constant 16 : i32
        %mul3A_580 = arith.muli %scan3A_578, %mul3A_579 : i32
        %get3A_581 = arith.index_cast %mul3A_580 : i32 to index
        %get3A_582 = tpu.vector_load %arg5[%get3A_581] {strides = array<i32>} : memref<40000xf32, #tpu.memory_space<vmem>>, vector<16xf32>,
        %get3A_583 = vector.shape_cast %get3A_582 : vector<16xf32> to vector<16xf32>
        %add3A_584 = arith.constant 1.000000e+00 : f32
        %add3A_585 = vector.broadcast %add3A_584 : f32 to vector<16xf32>
        %add3A_586 = arith.addf %get3A_583, %add3A_585 : vector<16xf32>
        %swap3A_587 = arith.index_cast %mul3A_580 : i32 to index
        %swap3A_588 = tpu.vector_load %arg5[%swap3A_587] {strides = array<i32>} : memref<40000xf32, #tpu.memory_space<vmem>>, vector<16xf32>,
        %swap3A_589 = vector.shape_cast %swap3A_588 : vector<16xf32> to vector<16xf32>
        %swap3A_590 = vector.shape_cast %add3A_586 : vector<16xf32> to vector<16xf32>
        tpu.vector_store %arg5[%swap3A_587], %swap3A_590 {strides = array<i32>} : memref<40000xf32, #tpu.memory_space<vmem>>, vector<16xf32>,
        %scan3A_591 = arith.constant 0 : i32
        %scan3A_592 = arith.constant 7 : i32
        %scan3A_593 = arith.addi %scan3A_487, %scan3A_592 : i32
        %mul3A_594 = arith.constant 16 : i32
        %mul3A_595 = arith.muli %scan3A_593, %mul3A_594 : i32
        %get3A_596 = arith.index_cast %mul3A_595 : i32 to index
        %get3A_597 = tpu.vector_load %arg5[%get3A_596] {strides = array<i32>} : memref<40000xf32, #tpu.memory_space<vmem>>, vector<16xf32>,
        %get3A_598 = vector.shape_cast %get3A_597 : vector<16xf32> to vector<16xf32>
        %add3A_599 = arith.constant 1.000000e+00 : f32
        %add3A_600 = vector.broadcast %add3A_599 : f32 to vector<16xf32>
        %add3A_601 = arith.addf %get3A_598, %add3A_600 : vector<16xf32>
        %swap3A_602 = arith.index_cast %mul3A_595 : i32 to index
        %swap3A_603 = tpu.vector_load %arg5[%swap3A_602] {strides = array<i32>} : memref<40000xf32, #tpu.memory_space<vmem>>, vector<16xf32>,
        %swap3A_604 = vector.shape_cast %swap3A_603 : vector<16xf32> to vector<16xf32>
        %swap3A_605 = vector.shape_cast %add3A_601 : vector<16xf32> to vector<16xf32>
        tpu.vector_store %arg5[%swap3A_602], %swap3A_605 {strides = array<i32>} : memref<40000xf32, #tpu.memory_space<vmem>>, vector<16xf32>,
        %scan3A_606 = arith.constant 0 : i32
        scf.yield %scan3A_606 : i32
      }
      %scan3A_314 = arith.constant 2496 : i32
      %scan3A_315 = arith.addi %scan3A_309, %scan3A_314 : i32
      %mul3A_316 = arith.constant 16 : i32
      %mul3A_317 = arith.muli %scan3A_315, %mul3A_316 : i32
      %get3A_318 = arith.index_cast %mul3A_317 : i32 to index
      %get3A_319 = tpu.vector_load %arg5[%get3A_318] {strides = array<i32>} : memref<40000xf32, #tpu.memory_space<vmem>>, vector<16xf32>,
      %get3A_320 = vector.shape_cast %get3A_319 : vector<16xf32> to vector<16xf32>
      %add3A_321 = arith.constant 1.000000e+00 : f32
      %add3A_322 = vector.broadcast %add3A_321 : f32 to vector<16xf32>
      %add3A_323 = arith.addf %get3A_320, %add3A_322 : vector<16xf32>
      %swap3A_324 = arith.index_cast %mul3A_317 : i32 to index
      %swap3A_325 = tpu.vector_load %arg5[%swap3A_324] {strides = array<i32>} : memref<40000xf32, #tpu.memory_space<vmem>>, vector<16xf32>,
      %swap3A_326 = vector.shape_cast %swap3A_325 : vector<16xf32> to vector<16xf32>
      %swap3A_327 = vector.shape_cast %add3A_323 : vector<16xf32> to vector<16xf32>
      tpu.vector_store %arg5[%swap3A_324], %swap3A_327 {strides = array<i32>} : memref<40000xf32, #tpu.memory_space<vmem>>, vector<16xf32>,
      %scan3A_328 = arith.constant 0 : i32
      %scan3A_329 = arith.constant 2497 : i32
      %scan3A_330 = arith.addi %scan3A_309, %scan3A_329 : i32
      %mul3A_331 = arith.constant 16 : i32
      %mul3A_332 = arith.muli %scan3A_330, %mul3A_331 : i32
      %get3A_333 = arith.index_cast %mul3A_332 : i32 to index
      %get3A_334 = tpu.vector_load %arg5[%get3A_333] {strides = array<i32>} : memref<40000xf32, #tpu.memory_space<vmem>>, vector<16xf32>,
      %get3A_335 = vector.shape_cast %get3A_334 : vector<16xf32> to vector<16xf32>
      %add3A_336 = arith.constant 1.000000e+00 : f32
      %add3A_337 = vector.broadcast %add3A_336 : f32 to vector<16xf32>
      %add3A_338 = arith.addf %get3A_335, %add3A_337 : vector<16xf32>
      %swap3A_339 = arith.index_cast %mul3A_332 : i32 to index
      %swap3A_340 = tpu.vector_load %arg5[%swap3A_339] {strides = array<i32>} : memref<40000xf32, #tpu.memory_space<vmem>>, vector<16xf32>,
      %swap3A_341 = vector.shape_cast %swap3A_340 : vector<16xf32> to vector<16xf32>
      %swap3A_342 = vector.shape_cast %add3A_338 : vector<16xf32> to vector<16xf32>
      tpu.vector_store %arg5[%swap3A_339], %swap3A_342 {strides = array<i32>} : memref<40000xf32, #tpu.memory_space<vmem>>, vector<16xf32>,
      %scan3A_343 = arith.constant 0 : i32
      %scan3A_344 = arith.constant 2498 : i32
      %scan3A_345 = arith.addi %scan3A_309, %scan3A_344 : i32
      %mul3A_346 = arith.constant 16 : i32
      %mul3A_347 = arith.muli %scan3A_345, %mul3A_346 : i32
      %get3A_348 = arith.index_cast %mul3A_347 : i32 to index
      %get3A_349 = tpu.vector_load %arg5[%get3A_348] {strides = array<i32>} : memref<40000xf32, #tpu.memory_space<vmem>>, vector<16xf32>,
      %get3A_350 = vector.shape_cast %get3A_349 : vector<16xf32> to vector<16xf32>
      %add3A_351 = arith.constant 1.000000e+00 : f32
      %add3A_352 = vector.broadcast %add3A_351 : f32 to vector<16xf32>
      %add3A_353 = arith.addf %get3A_350, %add3A_352 : vector<16xf32>
      %swap3A_354 = arith.index_cast %mul3A_347 : i32 to index
      %swap3A_355 = tpu.vector_load %arg5[%swap3A_354] {strides = array<i32>} : memref<40000xf32, #tpu.memory_space<vmem>>, vector<16xf32>,
      %swap3A_356 = vector.shape_cast %swap3A_355 : vector<16xf32> to vector<16xf32>
      %swap3A_357 = vector.shape_cast %add3A_353 : vector<16xf32> to vector<16xf32>
      tpu.vector_store %arg5[%swap3A_354], %swap3A_357 {strides = array<i32>} : memref<40000xf32, #tpu.memory_space<vmem>>, vector<16xf32>,
      %scan3A_358 = arith.constant 0 : i32
      %scan3A_359 = arith.constant 2499 : i32
      %scan3A_360 = arith.addi %scan3A_309, %scan3A_359 : i32
      %mul3A_361 = arith.constant 16 : i32
      %mul3A_362 = arith.muli %scan3A_360, %mul3A_361 : i32
      %get3A_363 = arith.index_cast %mul3A_362 : i32 to index
      %get3A_364 = tpu.vector_load %arg5[%get3A_363] {strides = array<i32>} : memref<40000xf32, #tpu.memory_space<vmem>>, vector<16xf32>,
      %get3A_365 = vector.shape_cast %get3A_364 : vector<16xf32> to vector<16xf32>
      %add3A_366 = arith.constant 1.000000e+00 : f32
      %add3A_367 = vector.broadcast %add3A_366 : f32 to vector<16xf32>
      %add3A_368 = arith.addf %get3A_365, %add3A_367 : vector<16xf32>
      %swap3A_369 = arith.index_cast %mul3A_362 : i32 to index
      %swap3A_370 = tpu.vector_load %arg5[%swap3A_369] {strides = array<i32>} : memref<40000xf32, #tpu.memory_space<vmem>>, vector<16xf32>,
      %swap3A_371 = vector.shape_cast %swap3A_370 : vector<16xf32> to vector<16xf32>
      %swap3A_372 = vector.shape_cast %add3A_368 : vector<16xf32> to vector<16xf32>
      tpu.vector_store %arg5[%swap3A_369], %swap3A_372 {strides = array<i32>} : memref<40000xf32, #tpu.memory_space<vmem>>, vector<16xf32>,
      %scan3A_373 = arith.constant 0 : i32
      %scan3A_374 = arith.constant 2500 : i32
      %eq3A_375 = arith.constant 0 : i32
      %eq3A_376 = arith.cmpi eq, %add3A, %eq3A_375 : i32
      %eq3A_377 = arith.constant 0 : i32
      %eq3A_378 = arith.cmpi eq, %add3A_291, %eq3A_377 : i32
      %and3A_379 = arith.andi %eq3A_376, %eq3A_378 : i1
      %convert_element_type3A_380 = arith.extui %and3A_379 : i1 to i32
      %cond3A_381 = arith.constant 0 : i32
      %cond3A_382 = arith.cmpi ne, %convert_element_type3A_380, %cond3A_381 : i32
      scf.if %cond3A_382 {
        %broadcast_in_dim3A = arith.constant 2.000000e+00 : f32
        %broadcast_in_dim3A_487 = vector.broadcast %broadcast_in_dim3A : f32 to vector<16xf32>
        %swap3A_488 = arith.constant 64 : index
        %swap3A_489 = tpu.vector_load %arg5[%swap3A_488] {strides = array<i32>} : memref<40000xf32, #tpu.memory_space<vmem>>, vector<16xf32>,
        %swap3A_490 = vector.shape_cast %swap3A_489 : vector<16xf32> to vector<16xf32>
        %swap3A_491 = vector.shape_cast %broadcast_in_dim3A_487 : vector<16xf32> to vector<16xf32>
        tpu.vector_store %arg5[%swap3A_488], %swap3A_491 {strides = array<i32>} : memref<40000xf32, #tpu.memory_space<vmem>>, vector<16xf32>,
        %swap3A_492 = arith.constant 80 : index
        %swap3A_493 = tpu.vector_load %arg5[%swap3A_492] {strides = array<i32>} : memref<40000xf32, #tpu.memory_space<vmem>>, vector<16xf32>,
        %swap3A_494 = vector.shape_cast %swap3A_493 : vector<16xf32> to vector<16xf32>
        %swap3A_495 = vector.shape_cast %broadcast_in_dim3A_487 : vector<16xf32> to vector<16xf32>
        tpu.vector_store %arg5[%swap3A_492], %swap3A_495 {strides = array<i32>} : memref<40000xf32, #tpu.memory_space<vmem>>, vector<16xf32>,
        %swap3A_496 = arith.constant 96 : index
        %swap3A_497 = tpu.vector_load %arg5[%swap3A_496] {strides = array<i32>} : memref<40000xf32, #tpu.memory_space<vmem>>, vector<16xf32>,
        %swap3A_498 = vector.shape_cast %swap3A_497 : vector<16xf32> to vector<16xf32>
        %swap3A_499 = vector.shape_cast %broadcast_in_dim3A_487 : vector<16xf32> to vector<16xf32>
        tpu.vector_store %arg5[%swap3A_496], %swap3A_499 {strides = array<i32>} : memref<40000xf32, #tpu.memory_space<vmem>>, vector<16xf32>,
        %swap3A_500 = arith.constant 112 : index
        %swap3A_501 = tpu.vector_load %arg5[%swap3A_500] {strides = array<i32>} : memref<40000xf32, #tpu.memory_space<vmem>>, vector<16xf32>,
        %swap3A_502 = vector.shape_cast %swap3A_501 : vector<16xf32> to vector<16xf32>
        %swap3A_503 = vector.shape_cast %broadcast_in_dim3A_487 : vector<16xf32> to vector<16xf32>
        tpu.vector_store %arg5[%swap3A_500], %swap3A_503 {strides = array<i32>} : memref<40000xf32, #tpu.memory_space<vmem>>, vector<16xf32>,
      } else {
      }
      %mul3A_383 = arith.constant 40000 : i32
      %mul3A_384 = arith.muli %add3A_291, %mul3A_383 : i32
      %add3A_385 = arith.addi %mul3A_2, %mul3A_384 : i32
      %dma_start3A_386 = tpu.memref_slice %arg3[%add3A_385] : memref<64000000xf32, #tpu.memory_space<hbm>> -> memref<40000xf32, #tpu.memory_space<hbm>>
      %dma_start3A_387 = tpu.memref_slice %arg3[%add3A_385] : memref<64000000xf32, #tpu.memory_space<hbm>> -> memref<40000xf32, #tpu.memory_space<hbm>>
      tpu.enqueue_dma source(%arg5 : memref<40000xf32, #tpu.memory_space<vmem>>) target(%dma_start3A_387 : memref<40000xf32, #tpu.memory_space<hbm>>) target_semaphore(%arg11 : memref<!tpu.dma_semaphore, #tpu.memory_space<semaphore_mem>>)
      %add3A_388 = arith.constant 2 : i32
      %add3A_389 = arith.addi %mul3A_192, %add3A_388 : i32
      %ge3A_390 = arith.constant 1 : i32
      %ge3A_391 = arith.cmpi sge, %add3A_389, %ge3A_390 : i32
      %convert_element_type3A_392 = arith.extui %ge3A_391 : i1 to i32
      %cond3A_393 = arith.constant 0 : i32
      %cond3A_394 = arith.cmpi ne, %convert_element_type3A_392, %cond3A_393 : i32
      scf.if %cond3A_394 {
        %dma_wait3A_487 = arith.constant 0 : i32
        %dma_wait3A_488 = tpu.memref_slice %arg3[%dma_wait3A_487] : memref<64000000xf32, #tpu.memory_space<hbm>> -> memref<40000xf32, #tpu.memory_space<hbm>>
        %dma_wait3A_489 = arith.constant 0 : i32
        %dma_wait3A_490 = tpu.memref_slice %arg3[%dma_wait3A_489] : memref<64000000xf32, #tpu.memory_space<hbm>> -> memref<40000xf32, #tpu.memory_space<hbm>>
        tpu.wait_dma2 semaphore(%arg11 : memref<!tpu.dma_semaphore, #tpu.memory_space<semaphore_mem>>) src(%arg5 : memref<40000xf32, #tpu.memory_space<vmem>>) dst(%dma_wait3A_490 : memref<40000xf32, #tpu.memory_space<hbm>>)
      } else {
      }
      %add3A_395 = arith.constant 2 : i32
      %add3A_396 = arith.addi %add3A_389, %add3A_395 : i32
      %mul3A_397 = arith.constant 40000 : i32
      %mul3A_398 = arith.muli %add3A_396, %mul3A_397 : i32
      %add3A_399 = arith.addi %mul3A_2, %mul3A_398 : i32
      %dma_start3A_400 = tpu.memref_slice %arg2[%add3A_399] : memref<64000000xf32, #tpu.memory_space<hbm>> -> memref<40000xf32, #tpu.memory_space<hbm>>
      %dma_start3A_401 = tpu.memref_slice %arg2[%add3A_399] : memref<64000000xf32, #tpu.memory_space<hbm>> -> memref<40000xf32, #tpu.memory_space<hbm>>
      tpu.enqueue_dma source(%dma_start3A_401 : memref<40000xf32, #tpu.memory_space<hbm>>) target(%arg5 : memref<40000xf32, #tpu.memory_space<vmem>>) target_semaphore(%arg8 : memref<!tpu.dma_semaphore, #tpu.memory_space<semaphore_mem>>)
      %dma_wait3A_402 = arith.constant 0 : i32
      %dma_wait3A_403 = tpu.memref_slice %arg2[%dma_wait3A_402] : memref<64000000xf32, #tpu.memory_space<hbm>> -> memref<40000xf32, #tpu.memory_space<hbm>>
      %dma_wait3A_404 = arith.constant 0 : i32
      %dma_wait3A_405 = tpu.memref_slice %arg2[%dma_wait3A_404] : memref<64000000xf32, #tpu.memory_space<hbm>> -> memref<40000xf32, #tpu.memory_space<hbm>>
      tpu.wait_dma2 semaphore(%arg9 : memref<!tpu.dma_semaphore, #tpu.memory_space<semaphore_mem>>) src(%dma_wait3A_405 : memref<40000xf32, #tpu.memory_space<hbm>>) dst(%arg6 : memref<40000xf32, #tpu.memory_space<vmem>>)
      %scan3A_406 = arith.constant 0 : i32
      %scan3A_407 = arith.constant 0 : i32
      %scan3A_408 = arith.constant 2496 : i32
      %scan3A_409 = arith.addi %scan3A_407, %scan3A_408 : i32
      %scan3A_410 = arith.constant 8 : i32
      %scan3A_411 = scf.for %scan3A_487 = %scan3A_407 to %scan3A_409 step %scan3A_410 iter_args(%scan3A_488 = %scan3A_406) -> (i32)  : i32 {
        %mul3A_489 = arith.constant 16 : i32
        %mul3A_490 = arith.muli %scan3A_487, %mul3A_489 : i32
        %get3A_491 = arith.index_cast %mul3A_490 : i32 to index
        %get3A_492 = tpu.vector_load %arg6[%get3A_491] {strides = array<i32>} : memref<40000xf32, #tpu.memory_space<vmem>>, vector<16xf32>,
        %get3A_493 = vector.shape_cast %get3A_492 : vector<16xf32> to vector<16xf32>
        %add3A_494 = arith.constant 1.000000e+00 : f32
        %add3A_495 = vector.broadcast %add3A_494 : f32 to vector<16xf32>
        %add3A_496 = arith.addf %get3A_493, %add3A_495 : vector<16xf32>
        %swap3A_497 = arith.index_cast %mul3A_490 : i32 to index
        %swap3A_498 = tpu.vector_load %arg6[%swap3A_497] {strides = array<i32>} : memref<40000xf32, #tpu.memory_space<vmem>>, vector<16xf32>,
        %swap3A_499 = vector.shape_cast %swap3A_498 : vector<16xf32> to vector<16xf32>
        %swap3A_500 = vector.shape_cast %add3A_496 : vector<16xf32> to vector<16xf32>
        tpu.vector_store %arg6[%swap3A_497], %swap3A_500 {strides = array<i32>} : memref<40000xf32, #tpu.memory_space<vmem>>, vector<16xf32>,
        %scan3A_501 = arith.constant 0 : i32
        %scan3A_502 = arith.constant 1 : i32
        %scan3A_503 = arith.addi %scan3A_487, %scan3A_502 : i32
        %mul3A_504 = arith.constant 16 : i32
        %mul3A_505 = arith.muli %scan3A_503, %mul3A_504 : i32
        %get3A_506 = arith.index_cast %mul3A_505 : i32 to index
        %get3A_507 = tpu.vector_load %arg6[%get3A_506] {strides = array<i32>} : memref<40000xf32, #tpu.memory_space<vmem>>, vector<16xf32>,
        %get3A_508 = vector.shape_cast %get3A_507 : vector<16xf32> to vector<16xf32>
        %add3A_509 = arith.constant 1.000000e+00 : f32
        %add3A_510 = vector.broadcast %add3A_509 : f32 to vector<16xf32>
        %add3A_511 = arith.addf %get3A_508, %add3A_510 : vector<16xf32>
        %swap3A_512 = arith.index_cast %mul3A_505 : i32 to index
        %swap3A_513 = tpu.vector_load %arg6[%swap3A_512] {strides = array<i32>} : memref<40000xf32, #tpu.memory_space<vmem>>, vector<16xf32>,
        %swap3A_514 = vector.shape_cast %swap3A_513 : vector<16xf32> to vector<16xf32>
        %swap3A_515 = vector.shape_cast %add3A_511 : vector<16xf32> to vector<16xf32>
        tpu.vector_store %arg6[%swap3A_512], %swap3A_515 {strides = array<i32>} : memref<40000xf32, #tpu.memory_space<vmem>>, vector<16xf32>,
        %scan3A_516 = arith.constant 0 : i32
        %scan3A_517 = arith.constant 2 : i32
        %scan3A_518 = arith.addi %scan3A_487, %scan3A_517 : i32
        %mul3A_519 = arith.constant 16 : i32
        %mul3A_520 = arith.muli %scan3A_518, %mul3A_519 : i32
        %get3A_521 = arith.index_cast %mul3A_520 : i32 to index
        %get3A_522 = tpu.vector_load %arg6[%get3A_521] {strides = array<i32>} : memref<40000xf32, #tpu.memory_space<vmem>>, vector<16xf32>,
        %get3A_523 = vector.shape_cast %get3A_522 : vector<16xf32> to vector<16xf32>
        %add3A_524 = arith.constant 1.000000e+00 : f32
        %add3A_525 = vector.broadcast %add3A_524 : f32 to vector<16xf32>
        %add3A_526 = arith.addf %get3A_523, %add3A_525 : vector<16xf32>
        %swap3A_527 = arith.index_cast %mul3A_520 : i32 to index
        %swap3A_528 = tpu.vector_load %arg6[%swap3A_527] {strides = array<i32>} : memref<40000xf32, #tpu.memory_space<vmem>>, vector<16xf32>,
        %swap3A_529 = vector.shape_cast %swap3A_528 : vector<16xf32> to vector<16xf32>
        %swap3A_530 = vector.shape_cast %add3A_526 : vector<16xf32> to vector<16xf32>
        tpu.vector_store %arg6[%swap3A_527], %swap3A_530 {strides = array<i32>} : memref<40000xf32, #tpu.memory_space<vmem>>, vector<16xf32>,
        %scan3A_531 = arith.constant 0 : i32
        %scan3A_532 = arith.constant 3 : i32
        %scan3A_533 = arith.addi %scan3A_487, %scan3A_532 : i32
        %mul3A_534 = arith.constant 16 : i32
        %mul3A_535 = arith.muli %scan3A_533, %mul3A_534 : i32
        %get3A_536 = arith.index_cast %mul3A_535 : i32 to index
        %get3A_537 = tpu.vector_load %arg6[%get3A_536] {strides = array<i32>} : memref<40000xf32, #tpu.memory_space<vmem>>, vector<16xf32>,
        %get3A_538 = vector.shape_cast %get3A_537 : vector<16xf32> to vector<16xf32>
        %add3A_539 = arith.constant 1.000000e+00 : f32
        %add3A_540 = vector.broadcast %add3A_539 : f32 to vector<16xf32>
        %add3A_541 = arith.addf %get3A_538, %add3A_540 : vector<16xf32>
        %swap3A_542 = arith.index_cast %mul3A_535 : i32 to index
        %swap3A_543 = tpu.vector_load %arg6[%swap3A_542] {strides = array<i32>} : memref<40000xf32, #tpu.memory_space<vmem>>, vector<16xf32>,
        %swap3A_544 = vector.shape_cast %swap3A_543 : vector<16xf32> to vector<16xf32>
        %swap3A_545 = vector.shape_cast %add3A_541 : vector<16xf32> to vector<16xf32>
        tpu.vector_store %arg6[%swap3A_542], %swap3A_545 {strides = array<i32>} : memref<40000xf32, #tpu.memory_space<vmem>>, vector<16xf32>,
        %scan3A_546 = arith.constant 0 : i32
        %scan3A_547 = arith.constant 4 : i32
        %scan3A_548 = arith.addi %scan3A_487, %scan3A_547 : i32
        %mul3A_549 = arith.constant 16 : i32
        %mul3A_550 = arith.muli %scan3A_548, %mul3A_549 : i32
        %get3A_551 = arith.index_cast %mul3A_550 : i32 to index
        %get3A_552 = tpu.vector_load %arg6[%get3A_551] {strides = array<i32>} : memref<40000xf32, #tpu.memory_space<vmem>>, vector<16xf32>,
        %get3A_553 = vector.shape_cast %get3A_552 : vector<16xf32> to vector<16xf32>
        %add3A_554 = arith.constant 1.000000e+00 : f32
        %add3A_555 = vector.broadcast %add3A_554 : f32 to vector<16xf32>
        %add3A_556 = arith.addf %get3A_553, %add3A_555 : vector<16xf32>
        %swap3A_557 = arith.index_cast %mul3A_550 : i32 to index
        %swap3A_558 = tpu.vector_load %arg6[%swap3A_557] {strides = array<i32>} : memref<40000xf32, #tpu.memory_space<vmem>>, vector<16xf32>,
        %swap3A_559 = vector.shape_cast %swap3A_558 : vector<16xf32> to vector<16xf32>
        %swap3A_560 = vector.shape_cast %add3A_556 : vector<16xf32> to vector<16xf32>
        tpu.vector_store %arg6[%swap3A_557], %swap3A_560 {strides = array<i32>} : memref<40000xf32, #tpu.memory_space<vmem>>, vector<16xf32>,
        %scan3A_561 = arith.constant 0 : i32
        %scan3A_562 = arith.constant 5 : i32
        %scan3A_563 = arith.addi %scan3A_487, %scan3A_562 : i32
        %mul3A_564 = arith.constant 16 : i32
        %mul3A_565 = arith.muli %scan3A_563, %mul3A_564 : i32
        %get3A_566 = arith.index_cast %mul3A_565 : i32 to index
        %get3A_567 = tpu.vector_load %arg6[%get3A_566] {strides = array<i32>} : memref<40000xf32, #tpu.memory_space<vmem>>, vector<16xf32>,
        %get3A_568 = vector.shape_cast %get3A_567 : vector<16xf32> to vector<16xf32>
        %add3A_569 = arith.constant 1.000000e+00 : f32
        %add3A_570 = vector.broadcast %add3A_569 : f32 to vector<16xf32>
        %add3A_571 = arith.addf %get3A_568, %add3A_570 : vector<16xf32>
        %swap3A_572 = arith.index_cast %mul3A_565 : i32 to index
        %swap3A_573 = tpu.vector_load %arg6[%swap3A_572] {strides = array<i32>} : memref<40000xf32, #tpu.memory_space<vmem>>, vector<16xf32>,
        %swap3A_574 = vector.shape_cast %swap3A_573 : vector<16xf32> to vector<16xf32>
        %swap3A_575 = vector.shape_cast %add3A_571 : vector<16xf32> to vector<16xf32>
        tpu.vector_store %arg6[%swap3A_572], %swap3A_575 {strides = array<i32>} : memref<40000xf32, #tpu.memory_space<vmem>>, vector<16xf32>,
        %scan3A_576 = arith.constant 0 : i32
        %scan3A_577 = arith.constant 6 : i32
        %scan3A_578 = arith.addi %scan3A_487, %scan3A_577 : i32
        %mul3A_579 = arith.constant 16 : i32
        %mul3A_580 = arith.muli %scan3A_578, %mul3A_579 : i32
        %get3A_581 = arith.index_cast %mul3A_580 : i32 to index
        %get3A_582 = tpu.vector_load %arg6[%get3A_581] {strides = array<i32>} : memref<40000xf32, #tpu.memory_space<vmem>>, vector<16xf32>,
        %get3A_583 = vector.shape_cast %get3A_582 : vector<16xf32> to vector<16xf32>
        %add3A_584 = arith.constant 1.000000e+00 : f32
        %add3A_585 = vector.broadcast %add3A_584 : f32 to vector<16xf32>
        %add3A_586 = arith.addf %get3A_583, %add3A_585 : vector<16xf32>
        %swap3A_587 = arith.index_cast %mul3A_580 : i32 to index
        %swap3A_588 = tpu.vector_load %arg6[%swap3A_587] {strides = array<i32>} : memref<40000xf32, #tpu.memory_space<vmem>>, vector<16xf32>,
        %swap3A_589 = vector.shape_cast %swap3A_588 : vector<16xf32> to vector<16xf32>
        %swap3A_590 = vector.shape_cast %add3A_586 : vector<16xf32> to vector<16xf32>
        tpu.vector_store %arg6[%swap3A_587], %swap3A_590 {strides = array<i32>} : memref<40000xf32, #tpu.memory_space<vmem>>, vector<16xf32>,
        %scan3A_591 = arith.constant 0 : i32
        %scan3A_592 = arith.constant 7 : i32
        %scan3A_593 = arith.addi %scan3A_487, %scan3A_592 : i32
        %mul3A_594 = arith.constant 16 : i32
        %mul3A_595 = arith.muli %scan3A_593, %mul3A_594 : i32
        %get3A_596 = arith.index_cast %mul3A_595 : i32 to index
        %get3A_597 = tpu.vector_load %arg6[%get3A_596] {strides = array<i32>} : memref<40000xf32, #tpu.memory_space<vmem>>, vector<16xf32>,
        %get3A_598 = vector.shape_cast %get3A_597 : vector<16xf32> to vector<16xf32>
        %add3A_599 = arith.constant 1.000000e+00 : f32
        %add3A_600 = vector.broadcast %add3A_599 : f32 to vector<16xf32>
        %add3A_601 = arith.addf %get3A_598, %add3A_600 : vector<16xf32>
        %swap3A_602 = arith.index_cast %mul3A_595 : i32 to index
        %swap3A_603 = tpu.vector_load %arg6[%swap3A_602] {strides = array<i32>} : memref<40000xf32, #tpu.memory_space<vmem>>, vector<16xf32>,
        %swap3A_604 = vector.shape_cast %swap3A_603 : vector<16xf32> to vector<16xf32>
        %swap3A_605 = vector.shape_cast %add3A_601 : vector<16xf32> to vector<16xf32>
        tpu.vector_store %arg6[%swap3A_602], %swap3A_605 {strides = array<i32>} : memref<40000xf32, #tpu.memory_space<vmem>>, vector<16xf32>,
        %scan3A_606 = arith.constant 0 : i32
        scf.yield %scan3A_606 : i32
      }
      %scan3A_412 = arith.constant 2496 : i32
      %scan3A_413 = arith.addi %scan3A_407, %scan3A_412 : i32
      %mul3A_414 = arith.constant 16 : i32
      %mul3A_415 = arith.muli %scan3A_413, %mul3A_414 : i32
      %get3A_416 = arith.index_cast %mul3A_415 : i32 to index
      %get3A_417 = tpu.vector_load %arg6[%get3A_416] {strides = array<i32>} : memref<40000xf32, #tpu.memory_space<vmem>>, vector<16xf32>,
      %get3A_418 = vector.shape_cast %get3A_417 : vector<16xf32> to vector<16xf32>
      %add3A_419 = arith.constant 1.000000e+00 : f32
      %add3A_420 = vector.broadcast %add3A_419 : f32 to vector<16xf32>
      %add3A_421 = arith.addf %get3A_418, %add3A_420 : vector<16xf32>
      %swap3A_422 = arith.index_cast %mul3A_415 : i32 to index
      %swap3A_423 = tpu.vector_load %arg6[%swap3A_422] {strides = array<i32>} : memref<40000xf32, #tpu.memory_space<vmem>>, vector<16xf32>,
      %swap3A_424 = vector.shape_cast %swap3A_423 : vector<16xf32> to vector<16xf32>
      %swap3A_425 = vector.shape_cast %add3A_421 : vector<16xf32> to vector<16xf32>
      tpu.vector_store %arg6[%swap3A_422], %swap3A_425 {strides = array<i32>} : memref<40000xf32, #tpu.memory_space<vmem>>, vector<16xf32>,
      %scan3A_426 = arith.constant 0 : i32
      %scan3A_427 = arith.constant 2497 : i32
      %scan3A_428 = arith.addi %scan3A_407, %scan3A_427 : i32
      %mul3A_429 = arith.constant 16 : i32
      %mul3A_430 = arith.muli %scan3A_428, %mul3A_429 : i32
      %get3A_431 = arith.index_cast %mul3A_430 : i32 to index
      %get3A_432 = tpu.vector_load %arg6[%get3A_431] {strides = array<i32>} : memref<40000xf32, #tpu.memory_space<vmem>>, vector<16xf32>,
      %get3A_433 = vector.shape_cast %get3A_432 : vector<16xf32> to vector<16xf32>
      %add3A_434 = arith.constant 1.000000e+00 : f32
      %add3A_435 = vector.broadcast %add3A_434 : f32 to vector<16xf32>
      %add3A_436 = arith.addf %get3A_433, %add3A_435 : vector<16xf32>
      %swap3A_437 = arith.index_cast %mul3A_430 : i32 to index
      %swap3A_438 = tpu.vector_load %arg6[%swap3A_437] {strides = array<i32>} : memref<40000xf32, #tpu.memory_space<vmem>>, vector<16xf32>,
      %swap3A_439 = vector.shape_cast %swap3A_438 : vector<16xf32> to vector<16xf32>
      %swap3A_440 = vector.shape_cast %add3A_436 : vector<16xf32> to vector<16xf32>
      tpu.vector_store %arg6[%swap3A_437], %swap3A_440 {strides = array<i32>} : memref<40000xf32, #tpu.memory_space<vmem>>, vector<16xf32>,
      %scan3A_441 = arith.constant 0 : i32
      %scan3A_442 = arith.constant 2498 : i32
      %scan3A_443 = arith.addi %scan3A_407, %scan3A_442 : i32
      %mul3A_444 = arith.constant 16 : i32
      %mul3A_445 = arith.muli %scan3A_443, %mul3A_444 : i32
      %get3A_446 = arith.index_cast %mul3A_445 : i32 to index
      %get3A_447 = tpu.vector_load %arg6[%get3A_446] {strides = array<i32>} : memref<40000xf32, #tpu.memory_space<vmem>>, vector<16xf32>,
      %get3A_448 = vector.shape_cast %get3A_447 : vector<16xf32> to vector<16xf32>
      %add3A_449 = arith.constant 1.000000e+00 : f32
      %add3A_450 = vector.broadcast %add3A_449 : f32 to vector<16xf32>
      %add3A_451 = arith.addf %get3A_448, %add3A_450 : vector<16xf32>
      %swap3A_452 = arith.index_cast %mul3A_445 : i32 to index
      %swap3A_453 = tpu.vector_load %arg6[%swap3A_452] {strides = array<i32>} : memref<40000xf32, #tpu.memory_space<vmem>>, vector<16xf32>,
      %swap3A_454 = vector.shape_cast %swap3A_453 : vector<16xf32> to vector<16xf32>
      %swap3A_455 = vector.shape_cast %add3A_451 : vector<16xf32> to vector<16xf32>
      tpu.vector_store %arg6[%swap3A_452], %swap3A_455 {strides = array<i32>} : memref<40000xf32, #tpu.memory_space<vmem>>, vector<16xf32>,
      %scan3A_456 = arith.constant 0 : i32
      %scan3A_457 = arith.constant 2499 : i32
      %scan3A_458 = arith.addi %scan3A_407, %scan3A_457 : i32
      %mul3A_459 = arith.constant 16 : i32
      %mul3A_460 = arith.muli %scan3A_458, %mul3A_459 : i32
      %get3A_461 = arith.index_cast %mul3A_460 : i32 to index
      %get3A_462 = tpu.vector_load %arg6[%get3A_461] {strides = array<i32>} : memref<40000xf32, #tpu.memory_space<vmem>>, vector<16xf32>,
      %get3A_463 = vector.shape_cast %get3A_462 : vector<16xf32> to vector<16xf32>
      %add3A_464 = arith.constant 1.000000e+00 : f32
      %add3A_465 = vector.broadcast %add3A_464 : f32 to vector<16xf32>
      %add3A_466 = arith.addf %get3A_463, %add3A_465 : vector<16xf32>
      %swap3A_467 = arith.index_cast %mul3A_460 : i32 to index
      %swap3A_468 = tpu.vector_load %arg6[%swap3A_467] {strides = array<i32>} : memref<40000xf32, #tpu.memory_space<vmem>>, vector<16xf32>,
      %swap3A_469 = vector.shape_cast %swap3A_468 : vector<16xf32> to vector<16xf32>
      %swap3A_470 = vector.shape_cast %add3A_466 : vector<16xf32> to vector<16xf32>
      tpu.vector_store %arg6[%swap3A_467], %swap3A_470 {strides = array<i32>} : memref<40000xf32, #tpu.memory_space<vmem>>, vector<16xf32>,
      %scan3A_471 = arith.constant 0 : i32
      %scan3A_472 = arith.constant 2500 : i32
      %eq3A_473 = arith.constant 0 : i32
      %eq3A_474 = arith.cmpi eq, %add3A, %eq3A_473 : i32
      %eq3A_475 = arith.constant 0 : i32
      %eq3A_476 = arith.cmpi eq, %add3A_389, %eq3A_475 : i32
      %and3A_477 = arith.andi %eq3A_474, %eq3A_476 : i1
      %convert_element_type3A_478 = arith.extui %and3A_477 : i1 to i32
      %cond3A_479 = arith.constant 0 : i32
      %cond3A_480 = arith.cmpi ne, %convert_element_type3A_478, %cond3A_479 : i32
      scf.if %cond3A_480 {
        %broadcast_in_dim3A = arith.constant 2.000000e+00 : f32
        %broadcast_in_dim3A_487 = vector.broadcast %broadcast_in_dim3A : f32 to vector<16xf32>
        %swap3A_488 = arith.constant 64 : index
        %swap3A_489 = tpu.vector_load %arg6[%swap3A_488] {strides = array<i32>} : memref<40000xf32, #tpu.memory_space<vmem>>, vector<16xf32>,
        %swap3A_490 = vector.shape_cast %swap3A_489 : vector<16xf32> to vector<16xf32>
        %swap3A_491 = vector.shape_cast %broadcast_in_dim3A_487 : vector<16xf32> to vector<16xf32>
        tpu.vector_store %arg6[%swap3A_488], %swap3A_491 {strides = array<i32>} : memref<40000xf32, #tpu.memory_space<vmem>>, vector<16xf32>,
        %swap3A_492 = arith.constant 80 : index
        %swap3A_493 = tpu.vector_load %arg6[%swap3A_492] {strides = array<i32>} : memref<40000xf32, #tpu.memory_space<vmem>>, vector<16xf32>,
        %swap3A_494 = vector.shape_cast %swap3A_493 : vector<16xf32> to vector<16xf32>
        %swap3A_495 = vector.shape_cast %broadcast_in_dim3A_487 : vector<16xf32> to vector<16xf32>
        tpu.vector_store %arg6[%swap3A_492], %swap3A_495 {strides = array<i32>} : memref<40000xf32, #tpu.memory_space<vmem>>, vector<16xf32>,
        %swap3A_496 = arith.constant 96 : index
        %swap3A_497 = tpu.vector_load %arg6[%swap3A_496] {strides = array<i32>} : memref<40000xf32, #tpu.memory_space<vmem>>, vector<16xf32>,
        %swap3A_498 = vector.shape_cast %swap3A_497 : vector<16xf32> to vector<16xf32>
        %swap3A_499 = vector.shape_cast %broadcast_in_dim3A_487 : vector<16xf32> to vector<16xf32>
        tpu.vector_store %arg6[%swap3A_496], %swap3A_499 {strides = array<i32>} : memref<40000xf32, #tpu.memory_space<vmem>>, vector<16xf32>,
        %swap3A_500 = arith.constant 112 : index
        %swap3A_501 = tpu.vector_load %arg6[%swap3A_500] {strides = array<i32>} : memref<40000xf32, #tpu.memory_space<vmem>>, vector<16xf32>,
        %swap3A_502 = vector.shape_cast %swap3A_501 : vector<16xf32> to vector<16xf32>
        %swap3A_503 = vector.shape_cast %broadcast_in_dim3A_487 : vector<16xf32> to vector<16xf32>
        tpu.vector_store %arg6[%swap3A_500], %swap3A_503 {strides = array<i32>} : memref<40000xf32, #tpu.memory_space<vmem>>, vector<16xf32>,
      } else {
      }
      %mul3A_481 = arith.constant 40000 : i32
      %mul3A_482 = arith.muli %add3A_389, %mul3A_481 : i32
      %add3A_483 = arith.addi %mul3A_2, %mul3A_482 : i32
      %dma_start3A_484 = tpu.memref_slice %arg3[%add3A_483] : memref<64000000xf32, #tpu.memory_space<hbm>> -> memref<40000xf32, #tpu.memory_space<hbm>>
      %dma_start3A_485 = tpu.memref_slice %arg3[%add3A_483] : memref<64000000xf32, #tpu.memory_space<hbm>> -> memref<40000xf32, #tpu.memory_space<hbm>>
      tpu.enqueue_dma source(%arg6 : memref<40000xf32, #tpu.memory_space<vmem>>) target(%dma_start3A_485 : memref<40000xf32, #tpu.memory_space<hbm>>) target_semaphore(%arg12 : memref<!tpu.dma_semaphore, #tpu.memory_space<semaphore_mem>>)
      %scan3A_486 = arith.constant 0 : i32
      scf.yield %scan3A_486 : i32
    }
    %scan3A_19 = arith.constant 16 : i32
    %dma_wait3A = arith.constant 0 : i32
    %dma_wait3A_20 = tpu.memref_slice %arg2[%dma_wait3A] : memref<64000000xf32, #tpu.memory_space<hbm>> -> memref<40000xf32, #tpu.memory_space<hbm>>
    %dma_wait3A_21 = arith.constant 0 : i32
    %dma_wait3A_22 = tpu.memref_slice %arg2[%dma_wait3A_21] : memref<64000000xf32, #tpu.memory_space<hbm>> -> memref<40000xf32, #tpu.memory_space<hbm>>
    tpu.wait_dma2 semaphore(%arg7 : memref<!tpu.dma_semaphore, #tpu.memory_space<semaphore_mem>>) src(%dma_wait3A_22 : memref<40000xf32, #tpu.memory_space<hbm>>) dst(%arg4 : memref<40000xf32, #tpu.memory_space<vmem>>)
    %scan3A_23 = arith.constant 0 : i32
    %scan3A_24 = arith.constant 0 : i32
    %scan3A_25 = arith.constant 2496 : i32
    %scan3A_26 = arith.addi %scan3A_24, %scan3A_25 : i32
    %scan3A_27 = arith.constant 8 : i32
    %scan3A_28 = scf.for %scan3A_189 = %scan3A_24 to %scan3A_26 step %scan3A_27 iter_args(%scan3A_190 = %scan3A_23) -> (i32)  : i32 {
      %mul3A_191 = arith.constant 16 : i32
      %mul3A_192 = arith.muli %scan3A_189, %mul3A_191 : i32
      %get3A_193 = arith.index_cast %mul3A_192 : i32 to index
      %get3A_194 = tpu.vector_load %arg4[%get3A_193] {strides = array<i32>} : memref<40000xf32, #tpu.memory_space<vmem>>, vector<16xf32>,
      %get3A_195 = vector.shape_cast %get3A_194 : vector<16xf32> to vector<16xf32>
      %add3A_196 = arith.constant 1.000000e+00 : f32
      %add3A_197 = vector.broadcast %add3A_196 : f32 to vector<16xf32>
      %add3A_198 = arith.addf %get3A_195, %add3A_197 : vector<16xf32>
      %swap3A_199 = arith.index_cast %mul3A_192 : i32 to index
      %swap3A_200 = tpu.vector_load %arg4[%swap3A_199] {strides = array<i32>} : memref<40000xf32, #tpu.memory_space<vmem>>, vector<16xf32>,
      %swap3A_201 = vector.shape_cast %swap3A_200 : vector<16xf32> to vector<16xf32>
      %swap3A_202 = vector.shape_cast %add3A_198 : vector<16xf32> to vector<16xf32>
      tpu.vector_store %arg4[%swap3A_199], %swap3A_202 {strides = array<i32>} : memref<40000xf32, #tpu.memory_space<vmem>>, vector<16xf32>,
      %scan3A_203 = arith.constant 0 : i32
      %scan3A_204 = arith.constant 1 : i32
      %scan3A_205 = arith.addi %scan3A_189, %scan3A_204 : i32
      %mul3A_206 = arith.constant 16 : i32
      %mul3A_207 = arith.muli %scan3A_205, %mul3A_206 : i32
      %get3A_208 = arith.index_cast %mul3A_207 : i32 to index
      %get3A_209 = tpu.vector_load %arg4[%get3A_208] {strides = array<i32>} : memref<40000xf32, #tpu.memory_space<vmem>>, vector<16xf32>,
      %get3A_210 = vector.shape_cast %get3A_209 : vector<16xf32> to vector<16xf32>
      %add3A_211 = arith.constant 1.000000e+00 : f32
      %add3A_212 = vector.broadcast %add3A_211 : f32 to vector<16xf32>
      %add3A_213 = arith.addf %get3A_210, %add3A_212 : vector<16xf32>
      %swap3A_214 = arith.index_cast %mul3A_207 : i32 to index
      %swap3A_215 = tpu.vector_load %arg4[%swap3A_214] {strides = array<i32>} : memref<40000xf32, #tpu.memory_space<vmem>>, vector<16xf32>,
      %swap3A_216 = vector.shape_cast %swap3A_215 : vector<16xf32> to vector<16xf32>
      %swap3A_217 = vector.shape_cast %add3A_213 : vector<16xf32> to vector<16xf32>
      tpu.vector_store %arg4[%swap3A_214], %swap3A_217 {strides = array<i32>} : memref<40000xf32, #tpu.memory_space<vmem>>, vector<16xf32>,
      %scan3A_218 = arith.constant 0 : i32
      %scan3A_219 = arith.constant 2 : i32
      %scan3A_220 = arith.addi %scan3A_189, %scan3A_219 : i32
      %mul3A_221 = arith.constant 16 : i32
      %mul3A_222 = arith.muli %scan3A_220, %mul3A_221 : i32
      %get3A_223 = arith.index_cast %mul3A_222 : i32 to index
      %get3A_224 = tpu.vector_load %arg4[%get3A_223] {strides = array<i32>} : memref<40000xf32, #tpu.memory_space<vmem>>, vector<16xf32>,
      %get3A_225 = vector.shape_cast %get3A_224 : vector<16xf32> to vector<16xf32>
      %add3A_226 = arith.constant 1.000000e+00 : f32
      %add3A_227 = vector.broadcast %add3A_226 : f32 to vector<16xf32>
      %add3A_228 = arith.addf %get3A_225, %add3A_227 : vector<16xf32>
      %swap3A_229 = arith.index_cast %mul3A_222 : i32 to index
      %swap3A_230 = tpu.vector_load %arg4[%swap3A_229] {strides = array<i32>} : memref<40000xf32, #tpu.memory_space<vmem>>, vector<16xf32>,
      %swap3A_231 = vector.shape_cast %swap3A_230 : vector<16xf32> to vector<16xf32>
      %swap3A_232 = vector.shape_cast %add3A_228 : vector<16xf32> to vector<16xf32>
      tpu.vector_store %arg4[%swap3A_229], %swap3A_232 {strides = array<i32>} : memref<40000xf32, #tpu.memory_space<vmem>>, vector<16xf32>,
      %scan3A_233 = arith.constant 0 : i32
      %scan3A_234 = arith.constant 3 : i32
      %scan3A_235 = arith.addi %scan3A_189, %scan3A_234 : i32
      %mul3A_236 = arith.constant 16 : i32
      %mul3A_237 = arith.muli %scan3A_235, %mul3A_236 : i32
      %get3A_238 = arith.index_cast %mul3A_237 : i32 to index
      %get3A_239 = tpu.vector_load %arg4[%get3A_238] {strides = array<i32>} : memref<40000xf32, #tpu.memory_space<vmem>>, vector<16xf32>,
      %get3A_240 = vector.shape_cast %get3A_239 : vector<16xf32> to vector<16xf32>
      %add3A_241 = arith.constant 1.000000e+00 : f32
      %add3A_242 = vector.broadcast %add3A_241 : f32 to vector<16xf32>
      %add3A_243 = arith.addf %get3A_240, %add3A_242 : vector<16xf32>
      %swap3A_244 = arith.index_cast %mul3A_237 : i32 to index
      %swap3A_245 = tpu.vector_load %arg4[%swap3A_244] {strides = array<i32>} : memref<40000xf32, #tpu.memory_space<vmem>>, vector<16xf32>,
      %swap3A_246 = vector.shape_cast %swap3A_245 : vector<16xf32> to vector<16xf32>
      %swap3A_247 = vector.shape_cast %add3A_243 : vector<16xf32> to vector<16xf32>
      tpu.vector_store %arg4[%swap3A_244], %swap3A_247 {strides = array<i32>} : memref<40000xf32, #tpu.memory_space<vmem>>, vector<16xf32>,
      %scan3A_248 = arith.constant 0 : i32
      %scan3A_249 = arith.constant 4 : i32
      %scan3A_250 = arith.addi %scan3A_189, %scan3A_249 : i32
      %mul3A_251 = arith.constant 16 : i32
      %mul3A_252 = arith.muli %scan3A_250, %mul3A_251 : i32
      %get3A_253 = arith.index_cast %mul3A_252 : i32 to index
      %get3A_254 = tpu.vector_load %arg4[%get3A_253] {strides = array<i32>} : memref<40000xf32, #tpu.memory_space<vmem>>, vector<16xf32>,
      %get3A_255 = vector.shape_cast %get3A_254 : vector<16xf32> to vector<16xf32>
      %add3A_256 = arith.constant 1.000000e+00 : f32
      %add3A_257 = vector.broadcast %add3A_256 : f32 to vector<16xf32>
      %add3A_258 = arith.addf %get3A_255, %add3A_257 : vector<16xf32>
      %swap3A_259 = arith.index_cast %mul3A_252 : i32 to index
      %swap3A_260 = tpu.vector_load %arg4[%swap3A_259] {strides = array<i32>} : memref<40000xf32, #tpu.memory_space<vmem>>, vector<16xf32>,
      %swap3A_261 = vector.shape_cast %swap3A_260 : vector<16xf32> to vector<16xf32>
      %swap3A_262 = vector.shape_cast %add3A_258 : vector<16xf32> to vector<16xf32>
      tpu.vector_store %arg4[%swap3A_259], %swap3A_262 {strides = array<i32>} : memref<40000xf32, #tpu.memory_space<vmem>>, vector<16xf32>,
      %scan3A_263 = arith.constant 0 : i32
      %scan3A_264 = arith.constant 5 : i32
      %scan3A_265 = arith.addi %scan3A_189, %scan3A_264 : i32
      %mul3A_266 = arith.constant 16 : i32
      %mul3A_267 = arith.muli %scan3A_265, %mul3A_266 : i32
      %get3A_268 = arith.index_cast %mul3A_267 : i32 to index
      %get3A_269 = tpu.vector_load %arg4[%get3A_268] {strides = array<i32>} : memref<40000xf32, #tpu.memory_space<vmem>>, vector<16xf32>,
      %get3A_270 = vector.shape_cast %get3A_269 : vector<16xf32> to vector<16xf32>
      %add3A_271 = arith.constant 1.000000e+00 : f32
      %add3A_272 = vector.broadcast %add3A_271 : f32 to vector<16xf32>
      %add3A_273 = arith.addf %get3A_270, %add3A_272 : vector<16xf32>
      %swap3A_274 = arith.index_cast %mul3A_267 : i32 to index
      %swap3A_275 = tpu.vector_load %arg4[%swap3A_274] {strides = array<i32>} : memref<40000xf32, #tpu.memory_space<vmem>>, vector<16xf32>,
      %swap3A_276 = vector.shape_cast %swap3A_275 : vector<16xf32> to vector<16xf32>
      %swap3A_277 = vector.shape_cast %add3A_273 : vector<16xf32> to vector<16xf32>
      tpu.vector_store %arg4[%swap3A_274], %swap3A_277 {strides = array<i32>} : memref<40000xf32, #tpu.memory_space<vmem>>, vector<16xf32>,
      %scan3A_278 = arith.constant 0 : i32
      %scan3A_279 = arith.constant 6 : i32
      %scan3A_280 = arith.addi %scan3A_189, %scan3A_279 : i32
      %mul3A_281 = arith.constant 16 : i32
      %mul3A_282 = arith.muli %scan3A_280, %mul3A_281 : i32
      %get3A_283 = arith.index_cast %mul3A_282 : i32 to index
      %get3A_284 = tpu.vector_load %arg4[%get3A_283] {strides = array<i32>} : memref<40000xf32, #tpu.memory_space<vmem>>, vector<16xf32>,
      %get3A_285 = vector.shape_cast %get3A_284 : vector<16xf32> to vector<16xf32>
      %add3A_286 = arith.constant 1.000000e+00 : f32
      %add3A_287 = vector.broadcast %add3A_286 : f32 to vector<16xf32>
      %add3A_288 = arith.addf %get3A_285, %add3A_287 : vector<16xf32>
      %swap3A_289 = arith.index_cast %mul3A_282 : i32 to index
      %swap3A_290 = tpu.vector_load %arg4[%swap3A_289] {strides = array<i32>} : memref<40000xf32, #tpu.memory_space<vmem>>, vector<16xf32>,
      %swap3A_291 = vector.shape_cast %swap3A_290 : vector<16xf32> to vector<16xf32>
      %swap3A_292 = vector.shape_cast %add3A_288 : vector<16xf32> to vector<16xf32>
      tpu.vector_store %arg4[%swap3A_289], %swap3A_292 {strides = array<i32>} : memref<40000xf32, #tpu.memory_space<vmem>>, vector<16xf32>,
      %scan3A_293 = arith.constant 0 : i32
      %scan3A_294 = arith.constant 7 : i32
      %scan3A_295 = arith.addi %scan3A_189, %scan3A_294 : i32
      %mul3A_296 = arith.constant 16 : i32
      %mul3A_297 = arith.muli %scan3A_295, %mul3A_296 : i32
      %get3A_298 = arith.index_cast %mul3A_297 : i32 to index
      %get3A_299 = tpu.vector_load %arg4[%get3A_298] {strides = array<i32>} : memref<40000xf32, #tpu.memory_space<vmem>>, vector<16xf32>,
      %get3A_300 = vector.shape_cast %get3A_299 : vector<16xf32> to vector<16xf32>
      %add3A_301 = arith.constant 1.000000e+00 : f32
      %add3A_302 = vector.broadcast %add3A_301 : f32 to vector<16xf32>
      %add3A_303 = arith.addf %get3A_300, %add3A_302 : vector<16xf32>
      %swap3A_304 = arith.index_cast %mul3A_297 : i32 to index
      %swap3A_305 = tpu.vector_load %arg4[%swap3A_304] {strides = array<i32>} : memref<40000xf32, #tpu.memory_space<vmem>>, vector<16xf32>,
      %swap3A_306 = vector.shape_cast %swap3A_305 : vector<16xf32> to vector<16xf32>
      %swap3A_307 = vector.shape_cast %add3A_303 : vector<16xf32> to vector<16xf32>
      tpu.vector_store %arg4[%swap3A_304], %swap3A_307 {strides = array<i32>} : memref<40000xf32, #tpu.memory_space<vmem>>, vector<16xf32>,
      %scan3A_308 = arith.constant 0 : i32
      scf.yield %scan3A_308 : i32
    }
    %scan3A_29 = arith.constant 2496 : i32
    %scan3A_30 = arith.addi %scan3A_24, %scan3A_29 : i32
    %mul3A_31 = arith.constant 16 : i32
    %mul3A_32 = arith.muli %scan3A_30, %mul3A_31 : i32
    %get3A = arith.index_cast %mul3A_32 : i32 to index
    %get3A_33 = tpu.vector_load %arg4[%get3A] {strides = array<i32>} : memref<40000xf32, #tpu.memory_space<vmem>>, vector<16xf32>,
    %get3A_34 = vector.shape_cast %get3A_33 : vector<16xf32> to vector<16xf32>
    %add3A_35 = arith.constant 1.000000e+00 : f32
    %add3A_36 = vector.broadcast %add3A_35 : f32 to vector<16xf32>
    %add3A_37 = arith.addf %get3A_34, %add3A_36 : vector<16xf32>
    %swap3A = arith.index_cast %mul3A_32 : i32 to index
    %swap3A_38 = tpu.vector_load %arg4[%swap3A] {strides = array<i32>} : memref<40000xf32, #tpu.memory_space<vmem>>, vector<16xf32>,
    %swap3A_39 = vector.shape_cast %swap3A_38 : vector<16xf32> to vector<16xf32>
    %swap3A_40 = vector.shape_cast %add3A_37 : vector<16xf32> to vector<16xf32>
    tpu.vector_store %arg4[%swap3A], %swap3A_40 {strides = array<i32>} : memref<40000xf32, #tpu.memory_space<vmem>>, vector<16xf32>,
    %scan3A_41 = arith.constant 0 : i32
    %scan3A_42 = arith.constant 2497 : i32
    %scan3A_43 = arith.addi %scan3A_24, %scan3A_42 : i32
    %mul3A_44 = arith.constant 16 : i32
    %mul3A_45 = arith.muli %scan3A_43, %mul3A_44 : i32
    %get3A_46 = arith.index_cast %mul3A_45 : i32 to index
    %get3A_47 = tpu.vector_load %arg4[%get3A_46] {strides = array<i32>} : memref<40000xf32, #tpu.memory_space<vmem>>, vector<16xf32>,
    %get3A_48 = vector.shape_cast %get3A_47 : vector<16xf32> to vector<16xf32>
    %add3A_49 = arith.constant 1.000000e+00 : f32
    %add3A_50 = vector.broadcast %add3A_49 : f32 to vector<16xf32>
    %add3A_51 = arith.addf %get3A_48, %add3A_50 : vector<16xf32>
    %swap3A_52 = arith.index_cast %mul3A_45 : i32 to index
    %swap3A_53 = tpu.vector_load %arg4[%swap3A_52] {strides = array<i32>} : memref<40000xf32, #tpu.memory_space<vmem>>, vector<16xf32>,
    %swap3A_54 = vector.shape_cast %swap3A_53 : vector<16xf32> to vector<16xf32>
    %swap3A_55 = vector.shape_cast %add3A_51 : vector<16xf32> to vector<16xf32>
    tpu.vector_store %arg4[%swap3A_52], %swap3A_55 {strides = array<i32>} : memref<40000xf32, #tpu.memory_space<vmem>>, vector<16xf32>,
    %scan3A_56 = arith.constant 0 : i32
    %scan3A_57 = arith.constant 2498 : i32
    %scan3A_58 = arith.addi %scan3A_24, %scan3A_57 : i32
    %mul3A_59 = arith.constant 16 : i32
    %mul3A_60 = arith.muli %scan3A_58, %mul3A_59 : i32
    %get3A_61 = arith.index_cast %mul3A_60 : i32 to index
    %get3A_62 = tpu.vector_load %arg4[%get3A_61] {strides = array<i32>} : memref<40000xf32, #tpu.memory_space<vmem>>, vector<16xf32>,
    %get3A_63 = vector.shape_cast %get3A_62 : vector<16xf32> to vector<16xf32>
    %add3A_64 = arith.constant 1.000000e+00 : f32
    %add3A_65 = vector.broadcast %add3A_64 : f32 to vector<16xf32>
    %add3A_66 = arith.addf %get3A_63, %add3A_65 : vector<16xf32>
    %swap3A_67 = arith.index_cast %mul3A_60 : i32 to index
    %swap3A_68 = tpu.vector_load %arg4[%swap3A_67] {strides = array<i32>} : memref<40000xf32, #tpu.memory_space<vmem>>, vector<16xf32>,
    %swap3A_69 = vector.shape_cast %swap3A_68 : vector<16xf32> to vector<16xf32>
    %swap3A_70 = vector.shape_cast %add3A_66 : vector<16xf32> to vector<16xf32>
    tpu.vector_store %arg4[%swap3A_67], %swap3A_70 {strides = array<i32>} : memref<40000xf32, #tpu.memory_space<vmem>>, vector<16xf32>,
    %scan3A_71 = arith.constant 0 : i32
    %scan3A_72 = arith.constant 2499 : i32
    %scan3A_73 = arith.addi %scan3A_24, %scan3A_72 : i32
    %mul3A_74 = arith.constant 16 : i32
    %mul3A_75 = arith.muli %scan3A_73, %mul3A_74 : i32
    %get3A_76 = arith.index_cast %mul3A_75 : i32 to index
    %get3A_77 = tpu.vector_load %arg4[%get3A_76] {strides = array<i32>} : memref<40000xf32, #tpu.memory_space<vmem>>, vector<16xf32>,
    %get3A_78 = vector.shape_cast %get3A_77 : vector<16xf32> to vector<16xf32>
    %add3A_79 = arith.constant 1.000000e+00 : f32
    %add3A_80 = vector.broadcast %add3A_79 : f32 to vector<16xf32>
    %add3A_81 = arith.addf %get3A_78, %add3A_80 : vector<16xf32>
    %swap3A_82 = arith.index_cast %mul3A_75 : i32 to index
    %swap3A_83 = tpu.vector_load %arg4[%swap3A_82] {strides = array<i32>} : memref<40000xf32, #tpu.memory_space<vmem>>, vector<16xf32>,
    %swap3A_84 = vector.shape_cast %swap3A_83 : vector<16xf32> to vector<16xf32>
    %swap3A_85 = vector.shape_cast %add3A_81 : vector<16xf32> to vector<16xf32>
    tpu.vector_store %arg4[%swap3A_82], %swap3A_85 {strides = array<i32>} : memref<40000xf32, #tpu.memory_space<vmem>>, vector<16xf32>,
    %scan3A_86 = arith.constant 0 : i32
    %scan3A_87 = arith.constant 2500 : i32
    %eq3A = arith.constant 0 : i32
    %eq3A_88 = arith.cmpi eq, %add3A, %eq3A : i32
    %and3A = arith.constant false
    %and3A_89 = arith.andi %eq3A_88, %and3A : i1
    %convert_element_type3A = arith.extui %and3A_89 : i1 to i32
    %cond3A = arith.constant 0 : i32
    %cond3A_90 = arith.cmpi ne, %convert_element_type3A, %cond3A : i32
    scf.if %cond3A_90 {
      %broadcast_in_dim3A = arith.constant 2.000000e+00 : f32
      %broadcast_in_dim3A_189 = vector.broadcast %broadcast_in_dim3A : f32 to vector<16xf32>
      %swap3A_190 = arith.constant 64 : index
      %swap3A_191 = tpu.vector_load %arg4[%swap3A_190] {strides = array<i32>} : memref<40000xf32, #tpu.memory_space<vmem>>, vector<16xf32>,
      %swap3A_192 = vector.shape_cast %swap3A_191 : vector<16xf32> to vector<16xf32>
      %swap3A_193 = vector.shape_cast %broadcast_in_dim3A_189 : vector<16xf32> to vector<16xf32>
      tpu.vector_store %arg4[%swap3A_190], %swap3A_193 {strides = array<i32>} : memref<40000xf32, #tpu.memory_space<vmem>>, vector<16xf32>,
      %swap3A_194 = arith.constant 80 : index
      %swap3A_195 = tpu.vector_load %arg4[%swap3A_194] {strides = array<i32>} : memref<40000xf32, #tpu.memory_space<vmem>>, vector<16xf32>,
      %swap3A_196 = vector.shape_cast %swap3A_195 : vector<16xf32> to vector<16xf32>
      %swap3A_197 = vector.shape_cast %broadcast_in_dim3A_189 : vector<16xf32> to vector<16xf32>
      tpu.vector_store %arg4[%swap3A_194], %swap3A_197 {strides = array<i32>} : memref<40000xf32, #tpu.memory_space<vmem>>, vector<16xf32>,
      %swap3A_198 = arith.constant 96 : index
      %swap3A_199 = tpu.vector_load %arg4[%swap3A_198] {strides = array<i32>} : memref<40000xf32, #tpu.memory_space<vmem>>, vector<16xf32>,
      %swap3A_200 = vector.shape_cast %swap3A_199 : vector<16xf32> to vector<16xf32>
      %swap3A_201 = vector.shape_cast %broadcast_in_dim3A_189 : vector<16xf32> to vector<16xf32>
      tpu.vector_store %arg4[%swap3A_198], %swap3A_201 {strides = array<i32>} : memref<40000xf32, #tpu.memory_space<vmem>>, vector<16xf32>,
      %swap3A_202 = arith.constant 112 : index
      %swap3A_203 = tpu.vector_load %arg4[%swap3A_202] {strides = array<i32>} : memref<40000xf32, #tpu.memory_space<vmem>>, vector<16xf32>,
      %swap3A_204 = vector.shape_cast %swap3A_203 : vector<16xf32> to vector<16xf32>
      %swap3A_205 = vector.shape_cast %broadcast_in_dim3A_189 : vector<16xf32> to vector<16xf32>
      tpu.vector_store %arg4[%swap3A_202], %swap3A_205 {strides = array<i32>} : memref<40000xf32, #tpu.memory_space<vmem>>, vector<16xf32>,
    } else {
    }
    %add3A_91 = arith.constant 1920000 : i32
    %add3A_92 = arith.addi %mul3A_2, %add3A_91 : i32
    %dma_start3A_93 = tpu.memref_slice %arg3[%add3A_92] : memref<64000000xf32, #tpu.memory_space<hbm>> -> memref<40000xf32, #tpu.memory_space<hbm>>
    %dma_start3A_94 = tpu.memref_slice %arg3[%add3A_92] : memref<64000000xf32, #tpu.memory_space<hbm>> -> memref<40000xf32, #tpu.memory_space<hbm>>
    tpu.enqueue_dma source(%arg4 : memref<40000xf32, #tpu.memory_space<vmem>>) target(%dma_start3A_94 : memref<40000xf32, #tpu.memory_space<hbm>>) target_semaphore(%arg10 : memref<!tpu.dma_semaphore, #tpu.memory_space<semaphore_mem>>)
    %dma_wait3A_95 = arith.constant 0 : i32
    %dma_wait3A_96 = tpu.memref_slice %arg2[%dma_wait3A_95] : memref<64000000xf32, #tpu.memory_space<hbm>> -> memref<40000xf32, #tpu.memory_space<hbm>>
    %dma_wait3A_97 = arith.constant 0 : i32
    %dma_wait3A_98 = tpu.memref_slice %arg2[%dma_wait3A_97] : memref<64000000xf32, #tpu.memory_space<hbm>> -> memref<40000xf32, #tpu.memory_space<hbm>>
    tpu.wait_dma2 semaphore(%arg8 : memref<!tpu.dma_semaphore, #tpu.memory_space<semaphore_mem>>) src(%dma_wait3A_98 : memref<40000xf32, #tpu.memory_space<hbm>>) dst(%arg5 : memref<40000xf32, #tpu.memory_space<vmem>>)
    %scan3A_99 = arith.constant 0 : i32
    %scan3A_100 = arith.constant 0 : i32
    %scan3A_101 = arith.constant 2496 : i32
    %scan3A_102 = arith.addi %scan3A_100, %scan3A_101 : i32
    %scan3A_103 = arith.constant 8 : i32
    %scan3A_104 = scf.for %scan3A_189 = %scan3A_100 to %scan3A_102 step %scan3A_103 iter_args(%scan3A_190 = %scan3A_99) -> (i32)  : i32 {
      %mul3A_191 = arith.constant 16 : i32
      %mul3A_192 = arith.muli %scan3A_189, %mul3A_191 : i32
      %get3A_193 = arith.index_cast %mul3A_192 : i32 to index
      %get3A_194 = tpu.vector_load %arg5[%get3A_193] {strides = array<i32>} : memref<40000xf32, #tpu.memory_space<vmem>>, vector<16xf32>,
      %get3A_195 = vector.shape_cast %get3A_194 : vector<16xf32> to vector<16xf32>
      %add3A_196 = arith.constant 1.000000e+00 : f32
      %add3A_197 = vector.broadcast %add3A_196 : f32 to vector<16xf32>
      %add3A_198 = arith.addf %get3A_195, %add3A_197 : vector<16xf32>
      %swap3A_199 = arith.index_cast %mul3A_192 : i32 to index
      %swap3A_200 = tpu.vector_load %arg5[%swap3A_199] {strides = array<i32>} : memref<40000xf32, #tpu.memory_space<vmem>>, vector<16xf32>,
      %swap3A_201 = vector.shape_cast %swap3A_200 : vector<16xf32> to vector<16xf32>
      %swap3A_202 = vector.shape_cast %add3A_198 : vector<16xf32> to vector<16xf32>
      tpu.vector_store %arg5[%swap3A_199], %swap3A_202 {strides = array<i32>} : memref<40000xf32, #tpu.memory_space<vmem>>, vector<16xf32>,
      %scan3A_203 = arith.constant 0 : i32
      %scan3A_204 = arith.constant 1 : i32
      %scan3A_205 = arith.addi %scan3A_189, %scan3A_204 : i32
      %mul3A_206 = arith.constant 16 : i32
      %mul3A_207 = arith.muli %scan3A_205, %mul3A_206 : i32
      %get3A_208 = arith.index_cast %mul3A_207 : i32 to index
      %get3A_209 = tpu.vector_load %arg5[%get3A_208] {strides = array<i32>} : memref<40000xf32, #tpu.memory_space<vmem>>, vector<16xf32>,
      %get3A_210 = vector.shape_cast %get3A_209 : vector<16xf32> to vector<16xf32>
      %add3A_211 = arith.constant 1.000000e+00 : f32
      %add3A_212 = vector.broadcast %add3A_211 : f32 to vector<16xf32>
      %add3A_213 = arith.addf %get3A_210, %add3A_212 : vector<16xf32>
      %swap3A_214 = arith.index_cast %mul3A_207 : i32 to index
      %swap3A_215 = tpu.vector_load %arg5[%swap3A_214] {strides = array<i32>} : memref<40000xf32, #tpu.memory_space<vmem>>, vector<16xf32>,
      %swap3A_216 = vector.shape_cast %swap3A_215 : vector<16xf32> to vector<16xf32>
      %swap3A_217 = vector.shape_cast %add3A_213 : vector<16xf32> to vector<16xf32>
      tpu.vector_store %arg5[%swap3A_214], %swap3A_217 {strides = array<i32>} : memref<40000xf32, #tpu.memory_space<vmem>>, vector<16xf32>,
      %scan3A_218 = arith.constant 0 : i32
      %scan3A_219 = arith.constant 2 : i32
      %scan3A_220 = arith.addi %scan3A_189, %scan3A_219 : i32
      %mul3A_221 = arith.constant 16 : i32
      %mul3A_222 = arith.muli %scan3A_220, %mul3A_221 : i32
      %get3A_223 = arith.index_cast %mul3A_222 : i32 to index
      %get3A_224 = tpu.vector_load %arg5[%get3A_223] {strides = array<i32>} : memref<40000xf32, #tpu.memory_space<vmem>>, vector<16xf32>,
      %get3A_225 = vector.shape_cast %get3A_224 : vector<16xf32> to vector<16xf32>
      %add3A_226 = arith.constant 1.000000e+00 : f32
      %add3A_227 = vector.broadcast %add3A_226 : f32 to vector<16xf32>
      %add3A_228 = arith.addf %get3A_225, %add3A_227 : vector<16xf32>
      %swap3A_229 = arith.index_cast %mul3A_222 : i32 to index
      %swap3A_230 = tpu.vector_load %arg5[%swap3A_229] {strides = array<i32>} : memref<40000xf32, #tpu.memory_space<vmem>>, vector<16xf32>,
      %swap3A_231 = vector.shape_cast %swap3A_230 : vector<16xf32> to vector<16xf32>
      %swap3A_232 = vector.shape_cast %add3A_228 : vector<16xf32> to vector<16xf32>
      tpu.vector_store %arg5[%swap3A_229], %swap3A_232 {strides = array<i32>} : memref<40000xf32, #tpu.memory_space<vmem>>, vector<16xf32>,
      %scan3A_233 = arith.constant 0 : i32
      %scan3A_234 = arith.constant 3 : i32
      %scan3A_235 = arith.addi %scan3A_189, %scan3A_234 : i32
      %mul3A_236 = arith.constant 16 : i32
      %mul3A_237 = arith.muli %scan3A_235, %mul3A_236 : i32
      %get3A_238 = arith.index_cast %mul3A_237 : i32 to index
      %get3A_239 = tpu.vector_load %arg5[%get3A_238] {strides = array<i32>} : memref<40000xf32, #tpu.memory_space<vmem>>, vector<16xf32>,
      %get3A_240 = vector.shape_cast %get3A_239 : vector<16xf32> to vector<16xf32>
      %add3A_241 = arith.constant 1.000000e+00 : f32
      %add3A_242 = vector.broadcast %add3A_241 : f32 to vector<16xf32>
      %add3A_243 = arith.addf %get3A_240, %add3A_242 : vector<16xf32>
      %swap3A_244 = arith.index_cast %mul3A_237 : i32 to index
      %swap3A_245 = tpu.vector_load %arg5[%swap3A_244] {strides = array<i32>} : memref<40000xf32, #tpu.memory_space<vmem>>, vector<16xf32>,
      %swap3A_246 = vector.shape_cast %swap3A_245 : vector<16xf32> to vector<16xf32>
      %swap3A_247 = vector.shape_cast %add3A_243 : vector<16xf32> to vector<16xf32>
      tpu.vector_store %arg5[%swap3A_244], %swap3A_247 {strides = array<i32>} : memref<40000xf32, #tpu.memory_space<vmem>>, vector<16xf32>,
      %scan3A_248 = arith.constant 0 : i32
      %scan3A_249 = arith.constant 4 : i32
      %scan3A_250 = arith.addi %scan3A_189, %scan3A_249 : i32
      %mul3A_251 = arith.constant 16 : i32
      %mul3A_252 = arith.muli %scan3A_250, %mul3A_251 : i32
      %get3A_253 = arith.index_cast %mul3A_252 : i32 to index
      %get3A_254 = tpu.vector_load %arg5[%get3A_253] {strides = array<i32>} : memref<40000xf32, #tpu.memory_space<vmem>>, vector<16xf32>,
      %get3A_255 = vector.shape_cast %get3A_254 : vector<16xf32> to vector<16xf32>
      %add3A_256 = arith.constant 1.000000e+00 : f32
      %add3A_257 = vector.broadcast %add3A_256 : f32 to vector<16xf32>
      %add3A_258 = arith.addf %get3A_255, %add3A_257 : vector<16xf32>
      %swap3A_259 = arith.index_cast %mul3A_252 : i32 to index
      %swap3A_260 = tpu.vector_load %arg5[%swap3A_259] {strides = array<i32>} : memref<40000xf32, #tpu.memory_space<vmem>>, vector<16xf32>,
      %swap3A_261 = vector.shape_cast %swap3A_260 : vector<16xf32> to vector<16xf32>
      %swap3A_262 = vector.shape_cast %add3A_258 : vector<16xf32> to vector<16xf32>
      tpu.vector_store %arg5[%swap3A_259], %swap3A_262 {strides = array<i32>} : memref<40000xf32, #tpu.memory_space<vmem>>, vector<16xf32>,
      %scan3A_263 = arith.constant 0 : i32
      %scan3A_264 = arith.constant 5 : i32
      %scan3A_265 = arith.addi %scan3A_189, %scan3A_264 : i32
      %mul3A_266 = arith.constant 16 : i32
      %mul3A_267 = arith.muli %scan3A_265, %mul3A_266 : i32
      %get3A_268 = arith.index_cast %mul3A_267 : i32 to index
      %get3A_269 = tpu.vector_load %arg5[%get3A_268] {strides = array<i32>} : memref<40000xf32, #tpu.memory_space<vmem>>, vector<16xf32>,
      %get3A_270 = vector.shape_cast %get3A_269 : vector<16xf32> to vector<16xf32>
      %add3A_271 = arith.constant 1.000000e+00 : f32
      %add3A_272 = vector.broadcast %add3A_271 : f32 to vector<16xf32>
      %add3A_273 = arith.addf %get3A_270, %add3A_272 : vector<16xf32>
      %swap3A_274 = arith.index_cast %mul3A_267 : i32 to index
      %swap3A_275 = tpu.vector_load %arg5[%swap3A_274] {strides = array<i32>} : memref<40000xf32, #tpu.memory_space<vmem>>, vector<16xf32>,
      %swap3A_276 = vector.shape_cast %swap3A_275 : vector<16xf32> to vector<16xf32>
      %swap3A_277 = vector.shape_cast %add3A_273 : vector<16xf32> to vector<16xf32>
      tpu.vector_store %arg5[%swap3A_274], %swap3A_277 {strides = array<i32>} : memref<40000xf32, #tpu.memory_space<vmem>>, vector<16xf32>,
      %scan3A_278 = arith.constant 0 : i32
      %scan3A_279 = arith.constant 6 : i32
      %scan3A_280 = arith.addi %scan3A_189, %scan3A_279 : i32
      %mul3A_281 = arith.constant 16 : i32
      %mul3A_282 = arith.muli %scan3A_280, %mul3A_281 : i32
      %get3A_283 = arith.index_cast %mul3A_282 : i32 to index
      %get3A_284 = tpu.vector_load %arg5[%get3A_283] {strides = array<i32>} : memref<40000xf32, #tpu.memory_space<vmem>>, vector<16xf32>,
      %get3A_285 = vector.shape_cast %get3A_284 : vector<16xf32> to vector<16xf32>
      %add3A_286 = arith.constant 1.000000e+00 : f32
      %add3A_287 = vector.broadcast %add3A_286 : f32 to vector<16xf32>
      %add3A_288 = arith.addf %get3A_285, %add3A_287 : vector<16xf32>
      %swap3A_289 = arith.index_cast %mul3A_282 : i32 to index
      %swap3A_290 = tpu.vector_load %arg5[%swap3A_289] {strides = array<i32>} : memref<40000xf32, #tpu.memory_space<vmem>>, vector<16xf32>,
      %swap3A_291 = vector.shape_cast %swap3A_290 : vector<16xf32> to vector<16xf32>
      %swap3A_292 = vector.shape_cast %add3A_288 : vector<16xf32> to vector<16xf32>
      tpu.vector_store %arg5[%swap3A_289], %swap3A_292 {strides = array<i32>} : memref<40000xf32, #tpu.memory_space<vmem>>, vector<16xf32>,
      %scan3A_293 = arith.constant 0 : i32
      %scan3A_294 = arith.constant 7 : i32
      %scan3A_295 = arith.addi %scan3A_189, %scan3A_294 : i32
      %mul3A_296 = arith.constant 16 : i32
      %mul3A_297 = arith.muli %scan3A_295, %mul3A_296 : i32
      %get3A_298 = arith.index_cast %mul3A_297 : i32 to index
      %get3A_299 = tpu.vector_load %arg5[%get3A_298] {strides = array<i32>} : memref<40000xf32, #tpu.memory_space<vmem>>, vector<16xf32>,
      %get3A_300 = vector.shape_cast %get3A_299 : vector<16xf32> to vector<16xf32>
      %add3A_301 = arith.constant 1.000000e+00 : f32
      %add3A_302 = vector.broadcast %add3A_301 : f32 to vector<16xf32>
      %add3A_303 = arith.addf %get3A_300, %add3A_302 : vector<16xf32>
      %swap3A_304 = arith.index_cast %mul3A_297 : i32 to index
      %swap3A_305 = tpu.vector_load %arg5[%swap3A_304] {strides = array<i32>} : memref<40000xf32, #tpu.memory_space<vmem>>, vector<16xf32>,
      %swap3A_306 = vector.shape_cast %swap3A_305 : vector<16xf32> to vector<16xf32>
      %swap3A_307 = vector.shape_cast %add3A_303 : vector<16xf32> to vector<16xf32>
      tpu.vector_store %arg5[%swap3A_304], %swap3A_307 {strides = array<i32>} : memref<40000xf32, #tpu.memory_space<vmem>>, vector<16xf32>,
      %scan3A_308 = arith.constant 0 : i32
      scf.yield %scan3A_308 : i32
    }
    %scan3A_105 = arith.constant 2496 : i32
    %scan3A_106 = arith.addi %scan3A_100, %scan3A_105 : i32
    %mul3A_107 = arith.constant 16 : i32
    %mul3A_108 = arith.muli %scan3A_106, %mul3A_107 : i32
    %get3A_109 = arith.index_cast %mul3A_108 : i32 to index
    %get3A_110 = tpu.vector_load %arg5[%get3A_109] {strides = array<i32>} : memref<40000xf32, #tpu.memory_space<vmem>>, vector<16xf32>,
    %get3A_111 = vector.shape_cast %get3A_110 : vector<16xf32> to vector<16xf32>
    %add3A_112 = arith.constant 1.000000e+00 : f32
    %add3A_113 = vector.broadcast %add3A_112 : f32 to vector<16xf32>
    %add3A_114 = arith.addf %get3A_111, %add3A_113 : vector<16xf32>
    %swap3A_115 = arith.index_cast %mul3A_108 : i32 to index
    %swap3A_116 = tpu.vector_load %arg5[%swap3A_115] {strides = array<i32>} : memref<40000xf32, #tpu.memory_space<vmem>>, vector<16xf32>,
    %swap3A_117 = vector.shape_cast %swap3A_116 : vector<16xf32> to vector<16xf32>
    %swap3A_118 = vector.shape_cast %add3A_114 : vector<16xf32> to vector<16xf32>
    tpu.vector_store %arg5[%swap3A_115], %swap3A_118 {strides = array<i32>} : memref<40000xf32, #tpu.memory_space<vmem>>, vector<16xf32>,
    %scan3A_119 = arith.constant 0 : i32
    %scan3A_120 = arith.constant 2497 : i32
    %scan3A_121 = arith.addi %scan3A_100, %scan3A_120 : i32
    %mul3A_122 = arith.constant 16 : i32
    %mul3A_123 = arith.muli %scan3A_121, %mul3A_122 : i32
    %get3A_124 = arith.index_cast %mul3A_123 : i32 to index
    %get3A_125 = tpu.vector_load %arg5[%get3A_124] {strides = array<i32>} : memref<40000xf32, #tpu.memory_space<vmem>>, vector<16xf32>,
    %get3A_126 = vector.shape_cast %get3A_125 : vector<16xf32> to vector<16xf32>
    %add3A_127 = arith.constant 1.000000e+00 : f32
    %add3A_128 = vector.broadcast %add3A_127 : f32 to vector<16xf32>
    %add3A_129 = arith.addf %get3A_126, %add3A_128 : vector<16xf32>
    %swap3A_130 = arith.index_cast %mul3A_123 : i32 to index
    %swap3A_131 = tpu.vector_load %arg5[%swap3A_130] {strides = array<i32>} : memref<40000xf32, #tpu.memory_space<vmem>>, vector<16xf32>,
    %swap3A_132 = vector.shape_cast %swap3A_131 : vector<16xf32> to vector<16xf32>
    %swap3A_133 = vector.shape_cast %add3A_129 : vector<16xf32> to vector<16xf32>
    tpu.vector_store %arg5[%swap3A_130], %swap3A_133 {strides = array<i32>} : memref<40000xf32, #tpu.memory_space<vmem>>, vector<16xf32>,
    %scan3A_134 = arith.constant 0 : i32
    %scan3A_135 = arith.constant 2498 : i32
    %scan3A_136 = arith.addi %scan3A_100, %scan3A_135 : i32
    %mul3A_137 = arith.constant 16 : i32
    %mul3A_138 = arith.muli %scan3A_136, %mul3A_137 : i32
    %get3A_139 = arith.index_cast %mul3A_138 : i32 to index
    %get3A_140 = tpu.vector_load %arg5[%get3A_139] {strides = array<i32>} : memref<40000xf32, #tpu.memory_space<vmem>>, vector<16xf32>,
    %get3A_141 = vector.shape_cast %get3A_140 : vector<16xf32> to vector<16xf32>
    %add3A_142 = arith.constant 1.000000e+00 : f32
    %add3A_143 = vector.broadcast %add3A_142 : f32 to vector<16xf32>
    %add3A_144 = arith.addf %get3A_141, %add3A_143 : vector<16xf32>
    %swap3A_145 = arith.index_cast %mul3A_138 : i32 to index
    %swap3A_146 = tpu.vector_load %arg5[%swap3A_145] {strides = array<i32>} : memref<40000xf32, #tpu.memory_space<vmem>>, vector<16xf32>,
    %swap3A_147 = vector.shape_cast %swap3A_146 : vector<16xf32> to vector<16xf32>
    %swap3A_148 = vector.shape_cast %add3A_144 : vector<16xf32> to vector<16xf32>
    tpu.vector_store %arg5[%swap3A_145], %swap3A_148 {strides = array<i32>} : memref<40000xf32, #tpu.memory_space<vmem>>, vector<16xf32>,
    %scan3A_149 = arith.constant 0 : i32
    %scan3A_150 = arith.constant 2499 : i32
    %scan3A_151 = arith.addi %scan3A_100, %scan3A_150 : i32
    %mul3A_152 = arith.constant 16 : i32
    %mul3A_153 = arith.muli %scan3A_151, %mul3A_152 : i32
    %get3A_154 = arith.index_cast %mul3A_153 : i32 to index
    %get3A_155 = tpu.vector_load %arg5[%get3A_154] {strides = array<i32>} : memref<40000xf32, #tpu.memory_space<vmem>>, vector<16xf32>,
    %get3A_156 = vector.shape_cast %get3A_155 : vector<16xf32> to vector<16xf32>
    %add3A_157 = arith.constant 1.000000e+00 : f32
    %add3A_158 = vector.broadcast %add3A_157 : f32 to vector<16xf32>
    %add3A_159 = arith.addf %get3A_156, %add3A_158 : vector<16xf32>
    %swap3A_160 = arith.index_cast %mul3A_153 : i32 to index
    %swap3A_161 = tpu.vector_load %arg5[%swap3A_160] {strides = array<i32>} : memref<40000xf32, #tpu.memory_space<vmem>>, vector<16xf32>,
    %swap3A_162 = vector.shape_cast %swap3A_161 : vector<16xf32> to vector<16xf32>
    %swap3A_163 = vector.shape_cast %add3A_159 : vector<16xf32> to vector<16xf32>
    tpu.vector_store %arg5[%swap3A_160], %swap3A_163 {strides = array<i32>} : memref<40000xf32, #tpu.memory_space<vmem>>, vector<16xf32>,
    %scan3A_164 = arith.constant 0 : i32
    %scan3A_165 = arith.constant 2500 : i32
    %eq3A_166 = arith.constant 0 : i32
    %eq3A_167 = arith.cmpi eq, %add3A, %eq3A_166 : i32
    %and3A_168 = arith.constant false
    %and3A_169 = arith.andi %eq3A_167, %and3A_168 : i1
    %convert_element_type3A_170 = arith.extui %and3A_169 : i1 to i32
    %cond3A_171 = arith.constant 0 : i32
    %cond3A_172 = arith.cmpi ne, %convert_element_type3A_170, %cond3A_171 : i32
    scf.if %cond3A_172 {
      %broadcast_in_dim3A = arith.constant 2.000000e+00 : f32
      %broadcast_in_dim3A_189 = vector.broadcast %broadcast_in_dim3A : f32 to vector<16xf32>
      %swap3A_190 = arith.constant 64 : index
      %swap3A_191 = tpu.vector_load %arg5[%swap3A_190] {strides = array<i32>} : memref<40000xf32, #tpu.memory_space<vmem>>, vector<16xf32>,
      %swap3A_192 = vector.shape_cast %swap3A_191 : vector<16xf32> to vector<16xf32>
      %swap3A_193 = vector.shape_cast %broadcast_in_dim3A_189 : vector<16xf32> to vector<16xf32>
      tpu.vector_store %arg5[%swap3A_190], %swap3A_193 {strides = array<i32>} : memref<40000xf32, #tpu.memory_space<vmem>>, vector<16xf32>,
      %swap3A_194 = arith.constant 80 : index
      %swap3A_195 = tpu.vector_load %arg5[%swap3A_194] {strides = array<i32>} : memref<40000xf32, #tpu.memory_space<vmem>>, vector<16xf32>,
      %swap3A_196 = vector.shape_cast %swap3A_195 : vector<16xf32> to vector<16xf32>
      %swap3A_197 = vector.shape_cast %broadcast_in_dim3A_189 : vector<16xf32> to vector<16xf32>
      tpu.vector_store %arg5[%swap3A_194], %swap3A_197 {strides = array<i32>} : memref<40000xf32, #tpu.memory_space<vmem>>, vector<16xf32>,
      %swap3A_198 = arith.constant 96 : index
      %swap3A_199 = tpu.vector_load %arg5[%swap3A_198] {strides = array<i32>} : memref<40000xf32, #tpu.memory_space<vmem>>, vector<16xf32>,
      %swap3A_200 = vector.shape_cast %swap3A_199 : vector<16xf32> to vector<16xf32>
      %swap3A_201 = vector.shape_cast %broadcast_in_dim3A_189 : vector<16xf32> to vector<16xf32>
      tpu.vector_store %arg5[%swap3A_198], %swap3A_201 {strides = array<i32>} : memref<40000xf32, #tpu.memory_space<vmem>>, vector<16xf32>,
      %swap3A_202 = arith.constant 112 : index
      %swap3A_203 = tpu.vector_load %arg5[%swap3A_202] {strides = array<i32>} : memref<40000xf32, #tpu.memory_space<vmem>>, vector<16xf32>,
      %swap3A_204 = vector.shape_cast %swap3A_203 : vector<16xf32> to vector<16xf32>
      %swap3A_205 = vector.shape_cast %broadcast_in_dim3A_189 : vector<16xf32> to vector<16xf32>
      tpu.vector_store %arg5[%swap3A_202], %swap3A_205 {strides = array<i32>} : memref<40000xf32, #tpu.memory_space<vmem>>, vector<16xf32>,
    } else {
    }
    %add3A_173 = arith.constant 1960000 : i32
    %add3A_174 = arith.addi %mul3A_2, %add3A_173 : i32
    %dma_start3A_175 = tpu.memref_slice %arg3[%add3A_174] : memref<64000000xf32, #tpu.memory_space<hbm>> -> memref<40000xf32, #tpu.memory_space<hbm>>
    %dma_start3A_176 = tpu.memref_slice %arg3[%add3A_174] : memref<64000000xf32, #tpu.memory_space<hbm>> -> memref<40000xf32, #tpu.memory_space<hbm>>
    tpu.enqueue_dma source(%arg5 : memref<40000xf32, #tpu.memory_space<vmem>>) target(%dma_start3A_176 : memref<40000xf32, #tpu.memory_space<hbm>>) target_semaphore(%arg11 : memref<!tpu.dma_semaphore, #tpu.memory_space<semaphore_mem>>)
    %dma_wait3A_177 = arith.constant 0 : i32
    %dma_wait3A_178 = tpu.memref_slice %arg3[%dma_wait3A_177] : memref<64000000xf32, #tpu.memory_space<hbm>> -> memref<40000xf32, #tpu.memory_space<hbm>>
    %dma_wait3A_179 = arith.constant 0 : i32
    %dma_wait3A_180 = tpu.memref_slice %arg3[%dma_wait3A_179] : memref<64000000xf32, #tpu.memory_space<hbm>> -> memref<40000xf32, #tpu.memory_space<hbm>>
    tpu.wait_dma2 semaphore(%arg10 : memref<!tpu.dma_semaphore, #tpu.memory_space<semaphore_mem>>) src(%arg4 : memref<40000xf32, #tpu.memory_space<vmem>>) dst(%dma_wait3A_180 : memref<40000xf32, #tpu.memory_space<hbm>>)
    %dma_wait3A_181 = arith.constant 0 : i32
    %dma_wait3A_182 = tpu.memref_slice %arg3[%dma_wait3A_181] : memref<64000000xf32, #tpu.memory_space<hbm>> -> memref<40000xf32, #tpu.memory_space<hbm>>
    %dma_wait3A_183 = arith.constant 0 : i32
    %dma_wait3A_184 = tpu.memref_slice %arg3[%dma_wait3A_183] : memref<64000000xf32, #tpu.memory_space<hbm>> -> memref<40000xf32, #tpu.memory_space<hbm>>
    tpu.wait_dma2 semaphore(%arg11 : memref<!tpu.dma_semaphore, #tpu.memory_space<semaphore_mem>>) src(%arg5 : memref<40000xf32, #tpu.memory_space<vmem>>) dst(%dma_wait3A_184 : memref<40000xf32, #tpu.memory_space<hbm>>)
    %dma_wait3A_185 = arith.constant 0 : i32
    %dma_wait3A_186 = tpu.memref_slice %arg3[%dma_wait3A_185] : memref<64000000xf32, #tpu.memory_space<hbm>> -> memref<40000xf32, #tpu.memory_space<hbm>>
    %dma_wait3A_187 = arith.constant 0 : i32
    %dma_wait3A_188 = tpu.memref_slice %arg3[%dma_wait3A_187] : memref<64000000xf32, #tpu.memory_space<hbm>> -> memref<40000xf32, #tpu.memory_space<hbm>>
    tpu.wait_dma2 semaphore(%arg12 : memref<!tpu.dma_semaphore, #tpu.memory_space<semaphore_mem>>) src(%arg6 : memref<40000xf32, #tpu.memory_space<vmem>>) dst(%dma_wait3A_188 : memref<40000xf32, #tpu.memory_space<hbm>>)
    return
  }
}

</mosaic_0001>

<sc_bundles>
// kernel: kernel.3.cloned.1.call-start
scs
__scs_entry_jumppad:
0x0: {  	(pc) =	sbr.rel $0x88, $3  }
0x1: {  	(tag) =	ssettag $0x0;
	lr =	simm.s32 $0x1  }
0x2: {  	[smem:$0x3FA0] =	sst lr;
	_ =	strace $0xD0000000  }
0x3: {  	_ = 	snop  }
0x4: {  	_ = 	snop  }
0x5: {  	_ = 	snop  }
0x6: {  	_ = 	snop  }
0x7: {  	_ = 	snop  }
__scs_overlays_trampoline_lowered:
0x8: {  	[smem:$0x3FAF] =	sst s0  }
0x9: {  	[smem:$0x3FB0] =	sst s1  }
0xa: {  	[smem:$0x3FB1] =	sst s2  }
0xb: {  	[smem:$0x3FB2] =	sst s3  }
0xc: {  	[smem:$0x3FB3] =	sst s4  }
0xd: {  	[smem:$0x3FB4] =	sst s5  }
0xe: {  	[smem:$0x3FB5] =	sst s6  }
0xf: {  	[smem:$0x3FB6] =	sst s7  }
0x10: {  	[smem:$0x3FB7] =	sst s8  }
0x11: {  	[smem:$0x3FB8] =	sst s9;
	s0 =	simm.s32 @!p0 $0x0  }
0x12: {  	s1 =	sld [smem:$0x3F9E];
	s0 =	simm.s32 @p0 $0x1  }
0x13: {  	[smem:$0x3FB9] =	sst s0;
	s0 =	simm.s32 @!p1 $0x0  }
0x14: {  	s2 =	sld [smem:$0x3F9D];
	s0 =	simm.s32 @p1 $0x1  }
0x15: {  	[smem:$0x3FBA] =	sst s0;
	s0 =	simm.s32 @!p2 $0x0  }
0x16: {  	s3 =	sld [smem:$0x3FDB];
	s0 =	simm.s32 @p2 $0x1  }
0x17: {  	s4 =	simm.s32 $0x1BF5;
	[smem:$0x3FBC] =	sst s0  }
0x18: {  	s0 =	sld [smem:$0x3F9F];
	_ =	swait.ge [sflag:s4], $0x0  }
0x19: {  	s7 =	sld [smem:$0x3FA0]  }
0x1a: {  	s8 =	sadd.s32 $0xFFFFE003, lr  }
0x1b: {  	s9 =	sadd.s32 $0xFFFFFEF7, lr;
	s5 =	simm.s32 $0xFFFFFFFF;
	p2 =	slt.u32 s8, $0xFFFFF086  }
0x1c: {  	p1 =	slt.u32 s9, $0xF7A;
	s5 =	simm.s32 @!p2 $0x0  }
0x1d: {  	s5 =	simm.s32 @p1 $0x1;
	p0 =	seq.s32 s7, s2  }
0x1e: {  	s7 =	smul.u32 @!p0 $0xF7A, s2;
	p2 =	seq.s32 @!p0 s5, $0x0  }
0x1f: {  	s9 =	smul.u32 $0xF7A, s1;
	s8 =	simm.s32 @!p0 $0x1BF5;
	p2 =	por !p2, p0  }
0x20: {  	[sflag:s8] =	ssyncset.s32 @!p0 $0xFFFFF086;
	s6 =	sadd.s32 @!p0 s3, s7;
	s7 =	simm.s32 @!p0 $0x108  }
0x21: {  	s3 =	sadd.s32 s3, s9;
	s6 =	sadd.s32 @!p0 $0x88, s6;
	s7 =	simm.s32 @p2 $0x1082  }
0x22: {  	[simem:s7], [sflag:s8] =	dma.local @!p0 [hbm:s6], $0xF7A  }
0x23: {  	s9 =	sor.u32 $0xD0000000, s2;
	s6 =	simm.s32 $0x108;
	_ =	swait.ge @!p0 [sflag:s8], $0x0  }
0x24: {  	s3 =	sadd.s32 $0x88, s3;
	s6 =	simm.s32 @!p1 $0x1082;
	[sflag:s4] =	ssyncset.s32 $0xFFFFF086  }
0x25: {  	[simem:s6], [sflag:s4] =	dma.local [hbm:s3], $0xF7A  }
0x26: {  	[smem:$0x3FA0] =	sst s1;
	(tag) =	ssettag s2;
	_ =	strace s9  }
0x27: {  	s1 =	sld [smem:$0x3FB0]  }
0x28: {  	s2 =	sld [smem:$0x3FB1]  }
0x29: {  	s4 =	sld [smem:$0x3FB3]  }
0x2a: {  	p0 =	seq.s32 s5, $0x0;
	s5 =	sld [smem:$0x3FB4]  }
0x2b: {  	s6 =	sld [smem:$0x3FB5]  }
0x2c: {  	s7 =	sld [smem:$0x3FB6]  }
0x2d: {  	s3 =	simm.s32 $0x108;
	s8 =	sld [smem:$0x3FB7]  }
0x2e: {  	s3 =	simm.s32 @!p0 $0x1082;
	s9 =	sld [smem:$0x3FB8]  }
0x2f: {  	lr =	sadd.s32 s0, s3;
	s0 =	sld [smem:$0x3FAF]  }
0x30: {  	s3 =	sld [smem:$0x3FB2]  }
0x31: {  	[smem:$0x3FBB] =	sst s10  }
0x32: {  	s10 =	sld [smem:$0x3FB9];
	_ =	sdelay $0x3  }
0x33: {  	p0 =	seq.s32 s10, $0x1;
	s10 =	sld [smem:$0x3FBB];
	_ =	sdelay $0x3  }
0x34: {  	[smem:$0x3FBB] =	sst s10  }
0x35: {  	s10 =	sld [smem:$0x3FBA];
	_ =	sdelay $0x3  }
0x36: {  	p1 =	seq.s32 s10, $0x1;
	s10 =	sld [smem:$0x3FBB];
	_ =	sdelay $0x3  }
0x37: {  	[smem:$0x3FBB] =	sst s10  }
0x38: {  	s10 =	sld [smem:$0x3FBC]  }
0x39: {  	_ = 	snop;
	(pc) =	sbr.ind lr, $3  }
0x3a: {  	_ = 	snop  }
0x3b: {  	_ = 	snop  }
0x3c: {  	p2 =	seq.s32 s10, $0x1;
	s10 =	sld [smem:$0x3FBB]  }
0x3d: {  	_ =	shalt  }
0x3e: {  	_ =	shalt  }
0x3f: {  	_ =	shalt  }
0x40: {  	_ =	shalt  }
0x41: {  	_ =	shalt  }
0x42: {  	_ =	shalt  }
0x43: {  	_ =	shalt  }
0x44: {  	_ =	shalt  }
0x45: {  	_ =	shalt  }
0x46: {  	_ =	shalt  }
0x47: {  	_ =	shalt  }
0x48: {  	_ =	shalt  }
0x49: {  	_ =	shalt  }
0x4a: {  	_ =	shalt  }
0x4b: {  	_ =	shalt  }
0x4c: {  	_ =	shalt  }
0x4d: {  	_ =	shalt  }
0x4e: {  	_ =	shalt  }
0x4f: {  	_ =	shalt  }
0x50: {  	_ =	shalt  }
0x51: {  	_ =	shalt  }
0x52: {  	_ =	shalt  }
0x53: {  	_ =	shalt  }
0x54: {  	_ =	shalt  }
0x55: {  	_ =	shalt  }
0x56: {  	_ =	shalt  }
0x57: {  	_ =	shalt  }
0x58: {  	_ =	shalt  }
0x59: {  	_ =	shalt  }
0x5a: {  	_ =	shalt  }
0x5b: {  	_ =	shalt  }
0x5c: {  	_ =	shalt  }
0x5d: {  	_ =	shalt  }
0x5e: {  	_ =	shalt  }
0x5f: {  	_ =	shalt  }
0x60: {  	_ =	shalt  }
0x61: {  	_ =	shalt  }
0x62: {  	_ =	shalt  }
0x63: {  	_ =	shalt  }
0x64: {  	_ =	shalt  }
0x65: {  	_ =	shalt  }
0x66: {  	_ =	shalt  }
0x67: {  	_ =	shalt  }
0x68: {  	_ =	shalt  }
0x69: {  	_ =	shalt  }
0x6a: {  	_ =	shalt  }
0x6b: {  	_ =	shalt  }
0x6c: {  	_ =	shalt  }
0x6d: {  	_ =	shalt  }
0x6e: {  	_ =	shalt  }
0x6f: {  	_ =	shalt  }
0x70: {  	_ =	shalt  }
0x71: {  	_ =	shalt  }
0x72: {  	_ =	shalt  }
0x73: {  	_ =	shalt  }
0x74: {  	_ =	shalt  }
0x75: {  	_ =	shalt  }
0x76: {  	_ =	shalt  }
0x77: {  	_ =	shalt  }
0x78: {  	_ =	shalt  }
0x79: {  	_ =	shalt  }
0x7a: {  	_ =	shalt  }
0x7b: {  	_ =	shalt  }
0x7c: {  	_ =	shalt  }
0x7d: {  	_ =	shalt  }
0x7e: {  	_ =	shalt  }
0x7f: {  	_ =	shalt  }
0x80: {  	_ =	shalt  }
0x81: {  	_ =	shalt  }
0x82: {  	_ =	shalt  }
0x83: {  	_ =	shalt  }
0x84: {  	_ =	shalt  }
0x85: {  	_ =	shalt  }
0x86: {  	_ =	shalt  }
0x87: {  	_ =	shalt  }
.Lfunc_end0:
.L_simem_size_0:
called_computation.1_lowered:
.L_overlay_start_0:
0x88: {  	s2 =	sld [smem:$0x3FD9]  }
0x89: {  	s3 =	sld [smem:$0x3FFE];
	_ =	sdelay $0x1  }
0x8a: {  	s1 =	srdreg.scid  }
0x8b: {  	s0 =	sand.u32 $0x1, s1  }
0x8c: {  	s17 =	sshll.u32 s0, $0xA;
	s2 =	sadd.s32 s3, s2  }
0x8d: {  	s2 =	sadd.s32 s2, s17  }
0x8e: {  	[smem:$0x3FC7] =	sst s2  }
0x8f: {  	_ = 	snop  }
0x90: {  	s2 =	sld [smem:$0x3FD0];
	(tm) =	ssettm $0x1  }
0x91: {  	s18 =	sld [smem:$0x3FFB];
	_ =	sdelay $0x3  }
0x92: {  	_ =	strace s18  }
0x93: {  	s3 =	sld [smem:$0x3FFC];
	_ =	sdelay $0x3  }
0x94: {  	_ =	strace s3  }
0x95: {  	s3 =	sld [smem:$0x3FFD];
	_ =	sdelay $0x3  }
0x96: {  	_ =	strace s3  }
0x97: {  	_ =	strace $0x8FFFFFFF  }
0x98: {  	s19 =	sld [smem:$0x3FDB];
	_ =	sdelay $0x1  }
0x99: {  	s4 =	simm.s32 $_scs_section_size  }
0x9a: {  	s5 =	simm.s32 $_size__tile_overlayer_lowered;
	s6 =	simm.s32 $_tile_overlayer_lowered  }
0x9b: {  	s22 =	simm.s32 $0x1BFF;
	s21 =	sshll.u32 s6, $0x1;
	s3 =	sadd.s32 s4, s19  }
0x9c: {  	s7 =	simm.s32 $0x0;
	s20 =	sshll.u32 s5, $0x1;
	s5 =	sadd.s32 s21, s3  }
0x9d: {  	[timem:s7], [sflag:s22] =	dma.local [hbm:s5], s20  }
0x9e: {  	_ =	swait.ge [sflag:s22], s20  }
0x9f: {  	s4 =	ssub.s32 $0x0, s20;
	[sflag:s22] =	ssyncset.done $0x0  }
0xa0: {  	[sflag:s22] =	ssyncadd.s32 s4;
	_ =	sdelay $0x1  }
0xa1: {  	s23 =	simm.s32 $0x1B8B  }
0xa2: {  	_ =	swait.ge [sflag:s23], $0x1  }
0xa3: {  	[sflag:s23] =	ssyncset.done $0x0  }
0xa4: {  	s25 =	simm.s32 $0x1B8E;
	s24 =	sld [smem:$0x3FFE];
	[sflag:s23] =	ssyncadd.s32 $0xFFFFFFFF  }
0xa5: {  	s26 =	simm.s32 $execute0_lowered;
	[smem:$0x3FD2] =	sst s25  }
0xa6: {  	s5 =	sshll.u32 s26, $0x1;
	_ =	strace $0x80000046;
	[dreg:$0x1] =	wrdreg $0xFFFFFFFF  }
0xa7: {  	s28 =	simm.s32 $_size_execute0_lowered;
	s3 =	sadd.s32 s3, s5;
	[dreg:$0x0] =	wrdreg $0x0  }
0xa8: {  	s5 =	sshll.u32 s28, $0x1;
	[dreg:$0x2] =	wrdreg s3  }
0xa9: {  	[dreg:$0x3] =	wrdreg s5  }
0xaa: {  	[dreg:$0x4] =	wrdreg $0xC0  }
0xab: {  	_ =	task [dreg:s7], $0x5FFFF  }
0xac: {  	[dreg:$0x1] =	wrdreg $0xFFFFFFFF  }
0xad: {  	[dreg:$0x0] =	wrdreg $0x60  }
0xae: {  	[dreg:$0x2] =	wrdreg s2  }
0xaf: {  	[dreg:$0x3] =	wrdreg s24  }
0xb0: {  	[dreg:$0x4] =	wrdreg $0x9  }
0xb1: {  	_ =	task.clear_ibuf [dreg:s7], $0x5FFFF;
	_ =	strace $0x90000046  }
0xb2: {  	s29 =	simm.s32 $0x9;
	_ =	strace $0x80000048  }
0xb3: {  	_ =	swait.ge [sflag:s29], $0x1  }
0xb4: {  	[sflag:s29] =	ssyncadd.s32 $0xFFFFFFFF  }
0xb5: {  	_ =	strace $0x90000048  }
0xb6: {  	_ =	sfence  }
0xb7: {  	s30 =	sld [smem:$0x0];
	_ =	sdelay $0x2  }
0xb8: {  	s31 =	sshll.u32 s1, $0xD;
	s1 =	sshrl.u32 s1, $0x2  }
0xb9: {  	s3 =	sand.u32 $0x4000, s31;
	s1 =	sadd.s32 s1, s30  }
0xba: {  	s0 =	sor.u32 s3, s0;
	s1 =	sshll.u32 s1, $0x11  }
0xbb: {  	s0 =	sor.u32 s1, s0  }
0xbc: {  	s0 =	sadd.s32 $0x8F2B, s0  }
0xbd: {  	[sflag:s0] =	ssyncadd.remote.s32 $0x1  }
0xbe: {  	_ =	sfence.sel $0xFFFF  }
0xbf: {  	[dreg:$0x0] =	wrdreg $0xFFFFFFFF;
	(pc) =	sbr.abs _section_cstart, $3  }
0xc0: {  	[dreg:$0x1] =	wrdreg $0xFFFFFFFF  }
0xc1: {  	_ =	task.clear_ibuf [dreg:s7], $0x2FFFF;
	_ =	strace $0x9FFFFFFF  }
0xc2: {  	(tm) =	ssettm $0x7FFFFFFF  }
0xc3: {  	_ =	shalt  }
tec
execute0_lowered:
.L_overlay_start_1:
0x0: {  	(tag) =	ssettag $0x1  }
0x1: {  	s2 =	rddreg [dreg:$0x0];
	s1 =	srdreg.scid  }
0x2: {  	s0 =	stileid.u32;
	s6 =	rddreg [dreg:$0x1];
	s3 =	simm.s32 $0x0  }
0x3: {  	s17 =	simm.s32 $0x9C80;
	s18 =	simm.s32 $0x13900;
	s19 =	simm.s32 $0x1  }
0x4: {  	s20 =	simm.s32 $0x4;
	s21 =	simm.s32 $0x2;
	s22 =	simm.s32 $0x5  }
0x5: {  	s23 =	simm.s32 $0x3;
	s1 =	sand.u32 $0x1, s1;
	s4 =	sshll.u32 s0, $0x1  }
0x6: {  	s24 =	simm.s32 $0x6;
	s25 =	simm.s32 $0x0;
	s4 =	sor.u32 s1, s4  }
0x7: {  	[smem:$0x7FF] =	sst s3;
	s1 =	ssub.s32 $0x2, s1;
	s5 =	smul.u32 $0x1E8480, s4  }
0x8: {  	s6 =	sadd.s32 $0x800, s6;
	_ =	strace $0x80000047;
	s7 =	sshrl.u32 s1, $0x1  }
0x9: {  	s1 =	ssub.s32 s1, s7;
	s7 =	sadd.s32 $0x9C40, s5;
	s8 =	sadd.s32 $0x13880, s5  }
0xa: {  	s14 =	sshrl.u32 s5, $0x3;
	s12 =	sadd.s32 $0x1D4C0, s5;
	s13 =	sadd.s32 $0x27100, s5  }
0xb: {  	s16 =	smax.u32 s1, $0x1;
	s10 =	sshrl.u32 s7, $0x3;
	s11 =	sshrl.u32 s8, $0x3  }
0xc: {  	s9 =	sadd.s32 s2, s14;
	s15 =	sadd.s32 s6, s14;
	s10 =	sadd.s32 s2, s10  }
0xd: {  	s11 =	sadd.s32 s2, s11;
	s14 =	sadd.s32 $0x3A980, s15;
	s15 =	sadd.s32 $0x3BD08, s15  }
.LBB2_1:
0xe: {  	[tilespmem:s3], [sflag:$0x1] =	stream.linear.gather [hbm4b:s9+s3], $0x9C40, $0x38;
	[tilespmem:$0x1D580] =	vst v63  }
0xf: {  	_ = 	snop  }
0x10: {  	[tilespmem:s17], [sflag:$0x2] =	stream.linear.gather [hbm4b:s10+s3], $0x9C40, $0x38;
	[tilespmem:$0x1D580] =	vst v63  }
0x11: {  	s26 =	simm.s32 $0x0  }
0x12: {  	[tilespmem:s18], [sflag:$0x3] =	stream.linear.gather [hbm4b:s11+s3], $0x9C40, $0x38;
	[tilespmem:$0x1D580] =	vst v63  }
.LBB2_2:
0x13: {  	p0 =	seq.s32 s26, $0x0;
	s29 =	smul.u32 $0x1D4C0, s26  }
0x14: {  	s1 =	simm.s32 @!p0 $0x6  }
0x15: {  	_ =	swait.ge @!p0 [sflag:s1], $0x9C40;
	s28 =	sadd.s32 s29, s8  }
0x16: {  	[sflag:s1] =	ssyncset.done @!p0 $0x0;
	s28 =	sshrl.u32 s28, $0x3  }
0x17: {  	[sflag:s1] =	ssyncadd.s32 @!p0 $0xFFFF63C0;
	s1 =	sadd.s32 s2, s28  }
0x18: {  	[tilespmem:s18], [sflag:$0x3] =	stream.linear.gather [hbm4b:s1+s3], $0x9C40, $0x38;
	[tilespmem:$0x1D580] =	vst v63  }
0x19: {  	_ =	swait.ge [sflag:s19], $0x9C40  }
0x1a: {  	[sflag:s19] =	ssyncset.done $0x0  }
0x1b: {  	s30 =	simm.s32 $0x40;
	[sflag:s19] =	ssyncadd.s32 $0xFFFF63C0  }
0x1c: {  	v1 =	vld [tilespmem:s30+$0xFFFFFFC0];
	_ =	sdelay $0x1  }
0x1d: {  	v4 =	vld [tilespmem:s30+$0xFFFFFFD0]  }
0x1e: {  	v6 =	vld [tilespmem:s30+$0xFFFFFFE0]  }
0x1f: {  	v2 =	vld [tilespmem:s30+$0x0]  }
0x20: {  	v0 =	vld [tilespmem:s30+$0x10];
	v5 =	vadd.f32 $1.000000000e+00, v1  }
0x21: {  	v3 =	vld [tilespmem:s30+$0x20]  }
0x22: {  	v1 =	vld [tilespmem:s30+$0x30];
	[tilespmem:s30+$0xFFFFFFC0] =	vst v5;
	v5 =	vadd.f32 $1.000000000e+00, v4  }
0x23: {  	s31 =	simm.s32 $0x0;
	s1 =	simm.s32 $0xC0;
	v6 =	vadd.f32 $1.000000000e+00, v6;
	v4 =	vld [tilespmem:s30+$0xFFFFFFF0]  }
.LBB2_3:
0x24: {  	v7 =	vld [tilespmem:s1+$0xFFFFFFC0];
	[tilespmem:s30+$0xFFFFFFD0] =	vst v5;
	v2 =	vadd.f32 $1.000000000e+00, v2  }
0x25: {  	s31 =	sadd.s32 $0x8, s31;
	v5 =	vld [tilespmem:s1+$0xFFFFFFD0];
	[tilespmem:s30+$0xFFFFFFE0] =	vst v6;
	v0 =	vadd.f32 $1.000000000e+00, v0  }
0x26: {  	p0 =	slt.u32 s31, $0x9B8;
	v6 =	vld [tilespmem:s1+$0xFFFFFFE0];
	[tilespmem:s30+$0x0] =	vst v2;
	v3 =	vadd.f32 $1.000000000e+00, v3  }
.Ltmp0:
0x27: {  	v2 =	vld [tilespmem:s1+$0x0];
	[tilespmem:s30+$0x10] =	vst v0;
	v1 =	vadd.f32 $1.000000000e+00, v1;
	(pc) =	sbr.rel @p0 .LBB2_3-.Ltmp0, $4  }
0x28: {  	v0 =	vld [tilespmem:s1+$0x10];
	v4 =	vadd.f32 $1.000000000e+00, v4;
	[tilespmem:s30+$0x20] =	vst v3  }
0x29: {  	v7 =	vadd.f32 $1.000000000e+00, v7;
	v3 =	vld [tilespmem:s1+$0x20];
	[tilespmem:s30+$0x30] =	vst v1  }
0x2a: {  	v5 =	vadd.f32 $1.000000000e+00, v5;
	v1 =	vld [tilespmem:s1+$0x30];
	[tilespmem:s30+$0xFFFFFFF0] =	vst v4;
	s30 =	smov.u32 s1  }
0x2b: {  	s1 =	sadd.s32 $0x80, s1;
	[tilespmem:s30+$0xFFFFFFC0] =	vst v7;
	v6 =	vadd.f32 $1.000000000e+00, v6;
	v4 =	vld [tilespmem:s30+$0xFFFFFFF0]  }
0x2c: {  	[tilespmem:s30+$0xFFFFFFD0] =	vst v5;
	v2 =	vadd.f32 $1.000000000e+00, v2  }
0x2d: {  	[tilespmem:s30+$0xFFFFFFE0] =	vst v6;
	v0 =	vadd.f32 $1.000000000e+00, v0  }
0x2e: {  	[tilespmem:s30+$0x0] =	vst v2;
	v2 =	vadd.f32 $1.000000000e+00, v3  }
0x2f: {  	[tilespmem:s30+$0x10] =	vst v0;
	v0 =	vadd.f32 $1.000000000e+00, v1  }
0x30: {  	v1 =	vadd.f32 $1.000000000e+00, v4;
	[tilespmem:s30+$0x20] =	vst v2  }
0x31: {  	[tilespmem:s30+$0x30] =	vst v0  }
0x32: {  	[tilespmem:s30+$0xFFFFFFF0] =	vst v1  }
0x33: {  	v0 =	vld [tilespmem:$0x9C00]  }
0x34: {  	v1 =	vld [tilespmem:$0x9C10]  }
0x35: {  	v2 =	vld [tilespmem:$0x9C20]  }
0x36: {  	v3 =	vld [tilespmem:$0x9C30];
	_ =	sdelay $0x1  }
0x37: {  	v0 =	vadd.f32 $1.000000000e+00, v0  }
0x38: {  	v1 =	vadd.f32 $1.000000000e+00, v1  }
0x39: {  	[tilespmem:$0x9C00] =	vst v0;
	v0 =	vadd.f32 $1.000000000e+00, v2  }
0x3a: {  	s1 =	sor.u32 s4, s26;
	[tilespmem:$0x9C10] =	vst v1;
	v1 =	vadd.f32 $1.000000000e+00, v3  }
0x3b: {  	p0 =	sne.s32 s1, $0x0;
	[tilespmem:$0x9C20] =	vst v0  }
0x3c: {  	[tilespmem:$0x9C30] =	vst v1;
	v0 =	vimm.f32 @!p0 $2.000000000e+00  }
0x3d: {  	[tilespmem:$0x40] =	vst @!p0 v0  }
0x3e: {  	s1 =	sadd.s32 s5, s29;
	[tilespmem:$0x50] =	vst @!p0 v0  }
0x3f: {  	s1 =	sshrl.u32 s1, $0x3;
	[tilespmem:$0x60] =	vst @!p0 v0  }
0x40: {  	s1 =	sadd.s32 s6, s1;
	[tilespmem:$0x70] =	vst @!p0 v0  }
0x41: {  	[hbm4b:s1+s3] =	stream.linear.scatter [tilespmem:s3], [sflag:$0x4], $0x9C40, $0x38;
	[tilespmem:$0x1D580] =	vst v63  }
0x42: {  	s1 =	sadd.s32 s29, s12;
	_ =	swait.ge [sflag:s20], $0x9C40  }
0x43: {  	s1 =	sshrl.u32 s1, $0x3;
	[sflag:s20] =	ssyncset.done $0x0  }
0x44: {  	s1 =	sadd.s32 s2, s1;
	[sflag:s20] =	ssyncadd.s32 $0xFFFF63C0  }
0x45: {  	[tilespmem:s3], [sflag:$0x1] =	stream.linear.gather [hbm4b:s1+s3], $0x9C40, $0x38;
	[tilespmem:$0x1D580] =	vst v63  }
0x46: {  	_ =	swait.ge [sflag:s21], $0x9C40  }
0x47: {  	[sflag:s21] =	ssyncset.done $0x0  }
0x48: {  	s30 =	simm.s32 $0x9CC0;
	[sflag:s21] =	ssyncadd.s32 $0xFFFF63C0  }
0x49: {  	v1 =	vld [tilespmem:s30+$0xFFFFFFC0];
	_ =	sdelay $0x1  }
0x4a: {  	v4 =	vld [tilespmem:s30+$0xFFFFFFD0]  }
0x4b: {  	v6 =	vld [tilespmem:s30+$0xFFFFFFE0]  }
0x4c: {  	v2 =	vld [tilespmem:s30+$0x0]  }
0x4d: {  	v0 =	vld [tilespmem:s30+$0x10];
	v5 =	vadd.f32 $1.000000000e+00, v1  }
0x4e: {  	v3 =	vld [tilespmem:s30+$0x20]  }
0x4f: {  	v1 =	vld [tilespmem:s30+$0x30];
	[tilespmem:s30+$0xFFFFFFC0] =	vst v5;
	v5 =	vadd.f32 $1.000000000e+00, v4  }
0x50: {  	s31 =	simm.s32 $0x0;
	s1 =	simm.s32 $0x9D40;
	v6 =	vadd.f32 $1.000000000e+00, v6;
	v4 =	vld [tilespmem:s30+$0xFFFFFFF0]  }
.LBB2_5:
0x51: {  	v7 =	vld [tilespmem:s1+$0xFFFFFFC0];
	[tilespmem:s30+$0xFFFFFFD0] =	vst v5;
	v2 =	vadd.f32 $1.000000000e+00, v2  }
0x52: {  	s31 =	sadd.s32 $0x8, s31;
	v5 =	vld [tilespmem:s1+$0xFFFFFFD0];
	[tilespmem:s30+$0xFFFFFFE0] =	vst v6;
	v0 =	vadd.f32 $1.000000000e+00, v0  }
0x53: {  	p0 =	slt.u32 s31, $0x9B8;
	v6 =	vld [tilespmem:s1+$0xFFFFFFE0];
	[tilespmem:s30+$0x0] =	vst v2;
	v3 =	vadd.f32 $1.000000000e+00, v3  }
.Ltmp1:
0x54: {  	v2 =	vld [tilespmem:s1+$0x0];
	[tilespmem:s30+$0x10] =	vst v0;
	v1 =	vadd.f32 $1.000000000e+00, v1;
	(pc) =	sbr.rel @p0 .LBB2_5-.Ltmp1, $4  }
0x55: {  	v0 =	vld [tilespmem:s1+$0x10];
	v4 =	vadd.f32 $1.000000000e+00, v4;
	[tilespmem:s30+$0x20] =	vst v3  }
0x56: {  	v7 =	vadd.f32 $1.000000000e+00, v7;
	v3 =	vld [tilespmem:s1+$0x20];
	[tilespmem:s30+$0x30] =	vst v1  }
0x57: {  	v5 =	vadd.f32 $1.000000000e+00, v5;
	v1 =	vld [tilespmem:s1+$0x30];
	[tilespmem:s30+$0xFFFFFFF0] =	vst v4;
	s30 =	smov.u32 s1  }
0x58: {  	s1 =	sadd.s32 $0x80, s1;
	[tilespmem:s30+$0xFFFFFFC0] =	vst v7;
	v6 =	vadd.f32 $1.000000000e+00, v6;
	v4 =	vld [tilespmem:s30+$0xFFFFFFF0]  }
0x59: {  	[tilespmem:s30+$0xFFFFFFD0] =	vst v5;
	v2 =	vadd.f32 $1.000000000e+00, v2  }
0x5a: {  	[tilespmem:s30+$0xFFFFFFE0] =	vst v6;
	v0 =	vadd.f32 $1.000000000e+00, v0  }
0x5b: {  	[tilespmem:s30+$0x0] =	vst v2;
	v2 =	vadd.f32 $1.000000000e+00, v3  }
0x5c: {  	[tilespmem:s30+$0x10] =	vst v0;
	v0 =	vadd.f32 $1.000000000e+00, v1  }
0x5d: {  	v1 =	vadd.f32 $1.000000000e+00, v4;
	[tilespmem:s30+$0x20] =	vst v2  }
0x5e: {  	[tilespmem:s30+$0x30] =	vst v0  }
0x5f: {  	[tilespmem:s30+$0xFFFFFFF0] =	vst v1  }
0x60: {  	v0 =	vld [tilespmem:$0x13880]  }
0x61: {  	v1 =	vld [tilespmem:$0x13890]  }
0x62: {  	v2 =	vld [tilespmem:$0x138A0]  }
0x63: {  	v3 =	vld [tilespmem:$0x138B0];
	_ =	sdelay $0x1  }
0x64: {  	v0 =	vadd.f32 $1.000000000e+00, v0  }
0x65: {  	v1 =	vadd.f32 $1.000000000e+00, v1  }
0x66: {  	[tilespmem:$0x13880] =	vst v0;
	v0 =	vadd.f32 $1.000000000e+00, v2  }
0x67: {  	s1 =	sadd.s32 s29, s7;
	[tilespmem:$0x13890] =	vst v1;
	v1 =	vadd.f32 $1.000000000e+00, v3  }
0x68: {  	s1 =	sshrl.u32 s1, $0x3;
	[tilespmem:$0x138A0] =	vst v0  }
0x69: {  	s1 =	sadd.s32 s6, s1;
	[tilespmem:$0x138B0] =	vst v1  }
0x6a: {  	[hbm4b:s1+s3] =	stream.linear.scatter [tilespmem:s17], [sflag:$0x5], $0x9C40, $0x38;
	[tilespmem:$0x1D580] =	vst v63  }
0x6b: {  	s31 =	sadd.s32 s29, s13;
	_ =	swait.ge [sflag:s22], $0x9C40  }
0x6c: {  	s1 =	sshrl.u32 s31, $0x3;
	[sflag:s22] =	ssyncset.done $0x0  }
0x6d: {  	s1 =	sadd.s32 s2, s1;
	[sflag:s22] =	ssyncadd.s32 $0xFFFF63C0  }
0x6e: {  	[tilespmem:s17], [sflag:$0x2] =	stream.linear.gather [hbm4b:s1+s3], $0x9C40, $0x38;
	[tilespmem:$0x1D580] =	vst v63  }
0x6f: {  	_ =	swait.ge [sflag:s23], $0x9C40  }
0x70: {  	[sflag:s23] =	ssyncset.done $0x0  }
0x71: {  	s29 =	simm.s32 $0x13940;
	[sflag:s23] =	ssyncadd.s32 $0xFFFF63C0  }
0x72: {  	v1 =	vld [tilespmem:s29+$0xFFFFFFC0];
	_ =	sdelay $0x1  }
0x73: {  	v4 =	vld [tilespmem:s29+$0xFFFFFFD0]  }
0x74: {  	v6 =	vld [tilespmem:s29+$0xFFFFFFE0]  }
0x75: {  	v2 =	vld [tilespmem:s29+$0x0]  }
0x76: {  	v0 =	vld [tilespmem:s29+$0x10];
	v5 =	vadd.f32 $1.000000000e+00, v1  }
0x77: {  	v3 =	vld [tilespmem:s29+$0x20]  }
0x78: {  	v1 =	vld [tilespmem:s29+$0x30];
	[tilespmem:s29+$0xFFFFFFC0] =	vst v5;
	v5 =	vadd.f32 $1.000000000e+00, v4  }
0x79: {  	s30 =	simm.s32 $0x0;
	s1 =	simm.s32 $0x139C0;
	v6 =	vadd.f32 $1.000000000e+00, v6;
	v4 =	vld [tilespmem:s29+$0xFFFFFFF0]  }
.LBB2_7:
0x7a: {  	v7 =	vld [tilespmem:s1+$0xFFFFFFC0];
	[tilespmem:s29+$0xFFFFFFD0] =	vst v5;
	v2 =	vadd.f32 $1.000000000e+00, v2  }
0x7b: {  	s30 =	sadd.s32 $0x8, s30;
	v5 =	vld [tilespmem:s1+$0xFFFFFFD0];
	[tilespmem:s29+$0xFFFFFFE0] =	vst v6;
	v0 =	vadd.f32 $1.000000000e+00, v0  }
0x7c: {  	p0 =	slt.u32 s30, $0x9B8;
	v6 =	vld [tilespmem:s1+$0xFFFFFFE0];
	[tilespmem:s29+$0x0] =	vst v2;
	v3 =	vadd.f32 $1.000000000e+00, v3  }
.Ltmp2:
0x7d: {  	v2 =	vld [tilespmem:s1+$0x0];
	[tilespmem:s29+$0x10] =	vst v0;
	v1 =	vadd.f32 $1.000000000e+00, v1;
	(pc) =	sbr.rel @p0 .LBB2_7-.Ltmp2, $4  }
0x7e: {  	v0 =	vld [tilespmem:s1+$0x10];
	v4 =	vadd.f32 $1.000000000e+00, v4;
	[tilespmem:s29+$0x20] =	vst v3  }
0x7f: {  	v7 =	vadd.f32 $1.000000000e+00, v7;
	v3 =	vld [tilespmem:s1+$0x20];
	[tilespmem:s29+$0x30] =	vst v1  }
0x80: {  	v5 =	vadd.f32 $1.000000000e+00, v5;
	v1 =	vld [tilespmem:s1+$0x30];
	[tilespmem:s29+$0xFFFFFFF0] =	vst v4;
	s29 =	smov.u32 s1  }
0x81: {  	s1 =	sadd.s32 $0x80, s1;
	[tilespmem:s29+$0xFFFFFFC0] =	vst v7;
	v6 =	vadd.f32 $1.000000000e+00, v6;
	v4 =	vld [tilespmem:s29+$0xFFFFFFF0]  }
0x82: {  	[tilespmem:s29+$0xFFFFFFD0] =	vst v5;
	v2 =	vadd.f32 $1.000000000e+00, v2  }
0x83: {  	[tilespmem:s29+$0xFFFFFFE0] =	vst v6;
	v0 =	vadd.f32 $1.000000000e+00, v0  }
0x84: {  	[tilespmem:s29+$0x0] =	vst v2;
	v58 =	vadd.f32 $1.000000000e+00, v3  }
0x85: {  	[tilespmem:s29+$0x10] =	vst v0;
	v59 =	vadd.f32 $1.000000000e+00, v1  }
0x86: {  	v60 =	vadd.f32 $1.000000000e+00, v4;
	[tilespmem:s29+$0x20] =	vst v58  }
0x87: {  	[tilespmem:s29+$0x30] =	vst v59  }
0x88: {  	[tilespmem:s29+$0xFFFFFFF0] =	vst v60  }
0x89: {  	v0 =	vld [tilespmem:$0x1D500]  }
0x8a: {  	v1 =	vld [tilespmem:$0x1D510]  }
0x8b: {  	v2 =	vld [tilespmem:$0x1D520]  }
0x8c: {  	v61 =	vld [tilespmem:$0x1D530];
	_ =	sdelay $0x1  }
0x8d: {  	s26 =	sadd.s32 $0x1, s26;
	v0 =	vadd.f32 $1.000000000e+00, v0  }
0x8e: {  	p0 =	sne.s32 s26, $0x10;
	v1 =	vadd.f32 $1.000000000e+00, v1  }
.Ltmp3:
0x8f: {  	v62 =	vadd.f32 $1.000000000e+00, v2;
	[tilespmem:$0x1D500] =	vst v0;
	(pc) =	sbr.rel @p0 .LBB2_2-.Ltmp3, $4  }
0x90: {  	v63 =	vadd.f32 $1.000000000e+00, v61;
	[tilespmem:$0x1D510] =	vst v1  }
0x91: {  	[tilespmem:$0x1D520] =	vst v62  }
0x92: {  	s1 =	sadd.s32 s6, s28;
	[tilespmem:$0x1D530] =	vst v63  }
0x93: {  	[hbm4b:s1+s3] =	stream.linear.scatter [tilespmem:s18], [sflag:$0x6], $0x9C40, $0x38;
	[tilespmem:$0x1D580] =	vst v63  }
0x94: {  	_ =	swait.ge [sflag:s19], $0x9C40  }
0x95: {  	[sflag:s19] =	ssyncset.done $0x0  }
0x96: {  	s26 =	simm.s32 $0x40;
	[sflag:s19] =	ssyncadd.s32 $0xFFFF63C0  }
0x97: {  	v1 =	vld [tilespmem:s26+$0xFFFFFFC0];
	_ =	sdelay $0x1  }
0x98: {  	v4 =	vld [tilespmem:s26+$0xFFFFFFD0]  }
0x99: {  	v6 =	vld [tilespmem:s26+$0xFFFFFFE0]  }
0x9a: {  	v2 =	vld [tilespmem:s26+$0x0]  }
0x9b: {  	v0 =	vld [tilespmem:s26+$0x10];
	v5 =	vadd.f32 $1.000000000e+00, v1  }
0x9c: {  	v3 =	vld [tilespmem:s26+$0x20]  }
0x9d: {  	v1 =	vld [tilespmem:s26+$0x30];
	[tilespmem:s26+$0xFFFFFFC0] =	vst v5;
	v5 =	vadd.f32 $1.000000000e+00, v4  }
0x9e: {  	s28 =	simm.s32 $0x0;
	s1 =	simm.s32 $0xC0;
	v6 =	vadd.f32 $1.000000000e+00, v6;
	v4 =	vld [tilespmem:s26+$0xFFFFFFF0]  }
.LBB2_10:
0x9f: {  	v7 =	vld [tilespmem:s1+$0xFFFFFFC0];
	[tilespmem:s26+$0xFFFFFFD0] =	vst v5;
	v2 =	vadd.f32 $1.000000000e+00, v2  }
0xa0: {  	s28 =	sadd.s32 $0x8, s28;
	v5 =	vld [tilespmem:s1+$0xFFFFFFD0];
	[tilespmem:s26+$0xFFFFFFE0] =	vst v6;
	v0 =	vadd.f32 $1.000000000e+00, v0  }
0xa1: {  	p0 =	slt.u32 s28, $0x9B8;
	v6 =	vld [tilespmem:s1+$0xFFFFFFE0];
	[tilespmem:s26+$0x0] =	vst v2;
	v3 =	vadd.f32 $1.000000000e+00, v3  }
.Ltmp4:
0xa2: {  	v2 =	vld [tilespmem:s1+$0x0];
	[tilespmem:s26+$0x10] =	vst v0;
	v1 =	vadd.f32 $1.000000000e+00, v1;
	(pc) =	sbr.rel @p0 .LBB2_10-.Ltmp4, $4  }
0xa3: {  	v0 =	vld [tilespmem:s1+$0x10];
	v4 =	vadd.f32 $1.000000000e+00, v4;
	[tilespmem:s26+$0x20] =	vst v3  }
0xa4: {  	v7 =	vadd.f32 $1.000000000e+00, v7;
	v3 =	vld [tilespmem:s1+$0x20];
	[tilespmem:s26+$0x30] =	vst v1  }
0xa5: {  	v5 =	vadd.f32 $1.000000000e+00, v5;
	v1 =	vld [tilespmem:s1+$0x30];
	[tilespmem:s26+$0xFFFFFFF0] =	vst v4;
	s26 =	smov.u32 s1  }
0xa6: {  	s1 =	sadd.s32 $0x80, s1;
	[tilespmem:s26+$0xFFFFFFC0] =	vst v7;
	v6 =	vadd.f32 $1.000000000e+00, v6;
	v4 =	vld [tilespmem:s26+$0xFFFFFFF0]  }
0xa7: {  	[tilespmem:s26+$0xFFFFFFD0] =	vst v5;
	v2 =	vadd.f32 $1.000000000e+00, v2  }
0xa8: {  	[tilespmem:s26+$0xFFFFFFE0] =	vst v6;
	v0 =	vadd.f32 $1.000000000e+00, v0  }
0xa9: {  	[tilespmem:s26+$0x0] =	vst v2;
	v2 =	vadd.f32 $1.000000000e+00, v3  }
0xaa: {  	[tilespmem:s26+$0x10] =	vst v0;
	v0 =	vadd.f32 $1.000000000e+00, v1  }
0xab: {  	v1 =	vadd.f32 $1.000000000e+00, v4;
	[tilespmem:s26+$0x20] =	vst v2  }
0xac: {  	[tilespmem:s26+$0x30] =	vst v0  }
0xad: {  	[tilespmem:s26+$0xFFFFFFF0] =	vst v1  }
0xae: {  	v0 =	vld [tilespmem:$0x9C00]  }
0xaf: {  	v1 =	vld [tilespmem:$0x9C10]  }
0xb0: {  	v2 =	vld [tilespmem:$0x9C20]  }
0xb1: {  	v3 =	vld [tilespmem:$0x9C30];
	_ =	sdelay $0x1  }
0xb2: {  	v0 =	vadd.f32 $1.000000000e+00, v0  }
0xb3: {  	v1 =	vadd.f32 $1.000000000e+00, v1  }
0xb4: {  	[tilespmem:$0x9C00] =	vst v0;
	v0 =	vadd.f32 $1.000000000e+00, v2  }
0xb5: {  	[tilespmem:$0x9C10] =	vst v1;
	v1 =	vadd.f32 $1.000000000e+00, v3  }
0xb6: {  	[tilespmem:$0x9C20] =	vst v0  }
0xb7: {  	[tilespmem:$0x9C30] =	vst v1  }
0xb8: {  	[hbm4b:s14+s3] =	stream.linear.scatter [tilespmem:s3], [sflag:$0x4], $0x9C40, $0x38;
	[tilespmem:$0x1D580] =	vst v63  }
0xb9: {  	_ =	swait.ge [sflag:s21], $0x9C40  }
0xba: {  	[sflag:s21] =	ssyncset.done $0x0  }
0xbb: {  	s26 =	simm.s32 $0x9CC0;
	[sflag:s21] =	ssyncadd.s32 $0xFFFF63C0  }
0xbc: {  	v1 =	vld [tilespmem:s26+$0xFFFFFFC0];
	_ =	sdelay $0x1  }
0xbd: {  	v4 =	vld [tilespmem:s26+$0xFFFFFFD0]  }
0xbe: {  	v6 =	vld [tilespmem:s26+$0xFFFFFFE0]  }
0xbf: {  	v2 =	vld [tilespmem:s26+$0x0]  }
0xc0: {  	v0 =	vld [tilespmem:s26+$0x10];
	v5 =	vadd.f32 $1.000000000e+00, v1  }
0xc1: {  	v3 =	vld [tilespmem:s26+$0x20]  }
0xc2: {  	v1 =	vld [tilespmem:s26+$0x30];
	[tilespmem:s26+$0xFFFFFFC0] =	vst v5;
	v5 =	vadd.f32 $1.000000000e+00, v4  }
0xc3: {  	s28 =	simm.s32 $0x0;
	s1 =	simm.s32 $0x9D40;
	v6 =	vadd.f32 $1.000000000e+00, v6;
	v4 =	vld [tilespmem:s26+$0xFFFFFFF0]  }
.LBB2_12:
0xc4: {  	v7 =	vld [tilespmem:s1+$0xFFFFFFC0];
	[tilespmem:s26+$0xFFFFFFD0] =	vst v5;
	v2 =	vadd.f32 $1.000000000e+00, v2  }
0xc5: {  	s28 =	sadd.s32 $0x8, s28;
	v5 =	vld [tilespmem:s1+$0xFFFFFFD0];
	[tilespmem:s26+$0xFFFFFFE0] =	vst v6;
	v0 =	vadd.f32 $1.000000000e+00, v0  }
0xc6: {  	p0 =	slt.u32 s28, $0x9B8;
	v6 =	vld [tilespmem:s1+$0xFFFFFFE0];
	[tilespmem:s26+$0x0] =	vst v2;
	v3 =	vadd.f32 $1.000000000e+00, v3  }
.Ltmp5:
0xc7: {  	v2 =	vld [tilespmem:s1+$0x0];
	[tilespmem:s26+$0x10] =	vst v0;
	v1 =	vadd.f32 $1.000000000e+00, v1;
	(pc) =	sbr.rel @p0 .LBB2_12-.Ltmp5, $4  }
0xc8: {  	v0 =	vld [tilespmem:s1+$0x10];
	v4 =	vadd.f32 $1.000000000e+00, v4;
	[tilespmem:s26+$0x20] =	vst v3  }
0xc9: {  	v7 =	vadd.f32 $1.000000000e+00, v7;
	v3 =	vld [tilespmem:s1+$0x20];
	[tilespmem:s26+$0x30] =	vst v1  }
0xca: {  	v5 =	vadd.f32 $1.000000000e+00, v5;
	v1 =	vld [tilespmem:s1+$0x30];
	[tilespmem:s26+$0xFFFFFFF0] =	vst v4;
	s26 =	smov.u32 s1  }
0xcb: {  	s1 =	sadd.s32 $0x80, s1;
	[tilespmem:s26+$0xFFFFFFC0] =	vst v7;
	v6 =	vadd.f32 $1.000000000e+00, v6;
	v4 =	vld [tilespmem:s26+$0xFFFFFFF0]  }
0xcc: {  	[tilespmem:s26+$0xFFFFFFD0] =	vst v5;
	v2 =	vadd.f32 $1.000000000e+00, v2  }
0xcd: {  	[tilespmem:s26+$0xFFFFFFE0] =	vst v6;
	v0 =	vadd.f32 $1.000000000e+00, v0  }
0xce: {  	[tilespmem:s26+$0x0] =	vst v2;
	v58 =	vadd.f32 $1.000000000e+00, v3  }
0xcf: {  	[tilespmem:s26+$0x10] =	vst v0;
	v59 =	vadd.f32 $1.000000000e+00, v1  }
0xd0: {  	v60 =	vadd.f32 $1.000000000e+00, v4;
	[tilespmem:s26+$0x20] =	vst v58  }
0xd1: {  	[tilespmem:s26+$0x30] =	vst v59  }
0xd2: {  	[tilespmem:s26+$0xFFFFFFF0] =	vst v60  }
0xd3: {  	v0 =	vld [tilespmem:$0x13880]  }
0xd4: {  	v1 =	vld [tilespmem:$0x13890]  }
0xd5: {  	v2 =	vld [tilespmem:$0x138A0]  }
0xd6: {  	v61 =	vld [tilespmem:$0x138B0];
	_ =	sdelay $0x1  }
0xd7: {  	v0 =	vadd.f32 $1.000000000e+00, v0  }
0xd8: {  	v1 =	vadd.f32 $1.000000000e+00, v1  }
0xd9: {  	v62 =	vadd.f32 $1.000000000e+00, v2;
	[tilespmem:$0x13880] =	vst v0  }
0xda: {  	v63 =	vadd.f32 $1.000000000e+00, v61;
	[tilespmem:$0x13890] =	vst v1  }
0xdb: {  	[tilespmem:$0x138A0] =	vst v62  }
0xdc: {  	[tilespmem:$0x138B0] =	vst v63  }
0xdd: {  	[hbm4b:s15+s3] =	stream.linear.scatter [tilespmem:s17], [sflag:$0x5], $0x9C40, $0x38;
	[tilespmem:$0x1D580] =	vst v63  }
0xde: {  	_ =	swait.ge [sflag:s20], $0x9C40  }
0xdf: {  	[sflag:s20] =	ssyncset.done $0x0  }
0xe0: {  	s25 =	sadd.s32 $0x1, s25;
	[sflag:s20] =	ssyncadd.s32 $0xFFFF63C0  }
0xe1: {  	p0 =	sne.s32 s25, s16;
	_ =	swait.ge [sflag:s22], $0x9C40  }
.Ltmp6:
0xe2: {  	[sflag:s22] =	ssyncset.done $0x0;
	(pc) =	sbr.rel @p0 .LBB2_1-.Ltmp6, $4  }
0xe3: {  	[sflag:s22] =	ssyncadd.s32 $0xFFFF63C0  }
0xe4: {  	_ =	swait.ge [sflag:s24], $0x9C40  }
0xe5: {  	[sflag:s24] =	ssyncset.done $0x0  }
0xe6: {  	[sflag:s24] =	ssyncadd.s32 $0xFFFF63C0  }
0xe7: {  	_ =	sfence.sel $0x180000  }
0xe8: {  	[bflag:$0x0] =	sbarrier.arrive $0xFFFF  }
0xe9: {  	_ =	strace $0x90000047  }
0xea: {  	[bflag:$0x2] =	sbarrier.arrive $0xFFFF  }
0xeb: {  	p0 =	sne.s32 s0, $0x0;
	s0 =	rddreg [dreg:$0x2]  }
0xec: {  	s0 =	sadd.s32 @!p0 $0x100000, s0  }
0xed: {  	[sflag:s0] =	ssyncadd.tile.s32 @!p0 $0x1;
	_ =	shalt  }
.Lfunc_end2:
_tile_overlayer_lowered:
.L_overlay_start_2:
0xee: {  	(tag) =	ssettag $0x2  }
0xef: {  	s0 =	rddreg [dreg:$0x0];
	s2 =	stileid.u32  }
0xf0: {  	s1 =	rddreg [dreg:$0x1];
	p0 =	sne.s32 s2, $0x0  }
0xf1: {  	s3 =	rddreg [dreg:$0x2];
	[bflag:$0x3] =	sbarrier.arrive $0xFFFF;
	s2 =	simm.s32 @!p0 $0x1C07  }
0xf2: {  	[timem:s3], [sflag:s2] =	dma.local @!p0 [hbm:s0], s1  }
0xf3: {  	s0 =	simm.s32 @!p0 $0x7  }
0xf4: {  	_ =	swait.ge @!p0 [sflag:s0], s1  }
0xf5: {  	s1 =	ssub.s32 @!p0 $0x0, s1;
	[sflag:s0] =	ssyncset.done @!p0 $0x0  }
0xf6: {  	[sflag:s0] =	ssyncadd.s32 @!p0 s1  }
0xf7: {  	[bflag:$0x3] =	sbarrier.arrive $0xFFFF  }
0xf8: {  	_ =	shalt  }

// kernel: sparse-core-data-format-call.cloned.1.call-start
scs
called_computation_lowered:
.L_overlay_start_0:
0x0: {  	s2 =	sld [smem:$0x3FD9]  }
0x1: {  	s3 =	sld [smem:$0x3FFE];
	_ =	sdelay $0x1  }
0x2: {  	s1 =	srdreg.scid  }
0x3: {  	s0 =	sand.u32 $0x1, s1  }
0x4: {  	s18 =	sshll.u32 s0, $0xA;
	s2 =	sadd.s32 s3, s2  }
0x5: {  	s2 =	sadd.s32 s2, s18  }
0x6: {  	[smem:$0x3FC7] =	sst s2  }
0x7: {  	_ = 	snop  }
0x8: {  	s2 =	sld [smem:$0x3FD0];
	(tm) =	ssettm $0x1  }
0x9: {  	s19 =	sld [smem:$0x3FFB];
	_ =	sdelay $0x3  }
0xa: {  	_ =	strace s19  }
0xb: {  	s3 =	sld [smem:$0x3FFC];
	_ =	sdelay $0x3  }
0xc: {  	_ =	strace s3  }
0xd: {  	s3 =	sld [smem:$0x3FFD];
	_ =	sdelay $0x3  }
0xe: {  	_ =	strace s3  }
0xf: {  	_ =	strace $0x8FFFFFFF  }
0x10: {  	s20 =	sld [smem:$0x3FDB];
	_ =	sdelay $0x1  }
0x11: {  	s4 =	simm.s32 $_scs_section_size  }
0x12: {  	s5 =	simm.s32 $_size__tile_overlayer_lowered;
	s6 =	simm.s32 $_tile_overlayer_lowered  }
0x13: {  	s23 =	simm.s32 $0x1BFF;
	s22 =	sshll.u32 s6, $0x1;
	s3 =	sadd.s32 s4, s20  }
0x14: {  	s7 =	simm.s32 $0x0;
	s21 =	sshll.u32 s5, $0x1;
	s5 =	sadd.s32 s22, s3  }
0x15: {  	[timem:s7], [sflag:s23] =	dma.local [hbm:s5], s21  }
0x16: {  	_ =	swait.ge [sflag:s23], s21  }
0x17: {  	s4 =	ssub.s32 $0x0, s21;
	[sflag:s23] =	ssyncset.done $0x0  }
0x18: {  	[sflag:s23] =	ssyncadd.s32 s4;
	_ =	sdelay $0x1  }
0x19: {  	s24 =	simm.s32 $0x1B8B  }
0x1a: {  	_ =	swait.ge [sflag:s24], $0x1  }
0x1b: {  	[sflag:s24] =	ssyncset.done $0x0  }
0x1c: {  	s26 =	simm.s32 $0x1B8E;
	s25 =	sld [smem:$0x3FFE];
	[sflag:s24] =	ssyncadd.s32 $0xFFFFFFFF  }
0x1d: {  	s27 =	simm.s32 $execute0_lowered;
	[smem:$0x3FD2] =	sst s26  }
0x1e: {  	s5 =	sshll.u32 s27, $0x1;
	_ =	strace $0x80000049;
	[dreg:$0x1] =	wrdreg $0xFFFFFFFF  }
0x1f: {  	s28 =	simm.s32 $_size_execute0_lowered;
	s3 =	sadd.s32 s3, s5;
	[dreg:$0x0] =	wrdreg $0x0  }
0x20: {  	s5 =	sshll.u32 s28, $0x1;
	[dreg:$0x2] =	wrdreg s3  }
0x21: {  	[dreg:$0x3] =	wrdreg s5  }
0x22: {  	[dreg:$0x4] =	wrdreg $0xC0  }
0x23: {  	_ =	task [dreg:s7], $0x5FFFF  }
0x24: {  	[dreg:$0x1] =	wrdreg $0xFFFFFFFF  }
0x25: {  	[dreg:$0x0] =	wrdreg $0x60  }
0x26: {  	[dreg:$0x2] =	wrdreg s25  }
0x27: {  	[dreg:$0x3] =	wrdreg s2  }
0x28: {  	[dreg:$0x4] =	wrdreg $0x9  }
0x29: {  	_ =	task.clear_ibuf [dreg:s7], $0x5FFFF;
	_ =	strace $0x90000049  }
0x2a: {  	s29 =	simm.s32 $0x9;
	_ =	strace $0x8000004B  }
0x2b: {  	_ =	swait.ge [sflag:s29], $0x1  }
0x2c: {  	[sflag:s29] =	ssyncadd.s32 $0xFFFFFFFF  }
0x2d: {  	_ =	strace $0x9000004B  }
0x2e: {  	_ =	sfence  }
0x2f: {  	s30 =	sld [smem:$0x0];
	_ =	sdelay $0x2  }
0x30: {  	s31 =	sshll.u32 s1, $0xD;
	s1 =	sshrl.u32 s1, $0x2  }
0x31: {  	s3 =	sand.u32 $0x4000, s31;
	s1 =	sadd.s32 s1, s30  }
0x32: {  	s0 =	sor.u32 s3, s0;
	s1 =	sshll.u32 s1, $0x11  }
0x33: {  	s0 =	sor.u32 s1, s0  }
0x34: {  	s0 =	sadd.s32 $0x8F2B, s0  }
0x35: {  	[sflag:s0] =	ssyncadd.remote.s32 $0x1  }
0x36: {  	_ =	sfence.sel $0xFFFF  }
0x37: {  	[dreg:$0x0] =	wrdreg $0xFFFFFFFF;
	(pc) =	sbr.abs _section_cstart, $3  }
0x38: {  	[dreg:$0x1] =	wrdreg $0xFFFFFFFF  }
0x39: {  	_ =	task.clear_ibuf [dreg:s7], $0x2FFFF;
	_ =	strace $0x9FFFFFFF  }
0x3a: {  	(tm) =	ssettm $0x7FFFFFFF  }
0x3b: {  	_ =	shalt  }
tec
execute0_lowered:
.L_overlay_start_1:
0x0: {  	(tag) =	ssettag $0x1  }
0x1: {  	s4 =	rddreg [dreg:$0x0]  }
0x2: {  	s0 =	srdreg.scid;
	s2 =	rddreg [dreg:$0x1]  }
0x3: {  	s1 =	stileid.u32;
	s5 =	simm.s32 $0x1;
	s0 =	sshll.u32 s0, $0x4  }
0x4: {  	s7 =	simm.s32 $0x2;
	s11 =	simm.s32 $0x0;
	s3 =	sand.u32 $0x10, s0  }
.Ltmp0:
0x5: {  	p0 =	por $0x0, $0x0;
	s3 =	sor.u32 s1, s3;
	(pc) =	sbr.rel .LBB1_1-.Ltmp0, $4  }
0x6: {  	s8 =	simm.s32 $0x7A1400;
	s10 =	simm.s32 $0x0;
	s3 =	sshll.u32 s3, $0x7  }
0x7: {  	s0 =	rddreg [dreg:$0x2];
	_ =	strace $0x8000004A;
	s6 =	ssub.s32 $0xF4200, s3  }
0x8: {  	s4 =	sadd.s32 $0x7A1A00, s4;
	[sflag:s5] =	ssyncpa.u1 $0x0;
	s6 =	sshrl.u32 s6, $0xC  }
0x9: {  	[sflag:s7] =	ssyncpa.u1 $0x0;
	s9 =	smov.u32 s3;
	s7 =	sadd.s32 $0x2, s6  }
.LBB1_5:
0xa: {  	s13 =	sadd.s32 $0x1000, s9  }
0xb: {  	p2 =	sgt.s32 s13, $0xF423F  }
0xc: {  	s13 =	smov.u32 @p2 s3;
	p2 =	sne.s32 s10, s7  }
.Ltmp1:
0xd: {  	p1 =	slt.u32 s10, $0x2;
	(pc) =	sbr.rel @!p2 .LBB1_6-.Ltmp1, $4  }
0xe: {  	s12 =	simm.s32 @!p1 $0x2  }
0xf: {  	s14 =	sadd.s32 $0x1, s10;
	_ =	swait.ge @!p1 [sflag:s12], $0x2000  }
0x10: {  	s11 =	smov.u32 s9;
	p0 =	por !p0, !p0;
	[sflag:s12] =	ssyncset.done @!p1 $0x0  }
0x11: {  	s10 =	smov.u32 s14;
	s9 =	smov.u32 s13;
	[sflag:s12] =	ssyncadd.s32 @!p1 $0xFFFFE000  }
.LBB1_1:
0x12: {  	p1 =	sgt.u32 s10, s6  }
0x13: {  	s13 =	smov.u32 s9;
	p2 =	sgt.s32 @!p1 s9, $0xF41C0  }
0x14: {  	s12 =	sand.u32 @!p1 $0x1FFFFFF, s9;
	s14 =	sshra.s32 @!p1 s9, $0x1F;
	p2 =	por !p2, p1  }
0x15: {  	s15 =	smulhi.u32 @!p1 $0x218DEF5, s12;
	s14 =	sand.u32 @!p1 s14, s9;
	s13 =	simm.s32 @p2 $0xF41C0  }
0x16: {  	s13 =	ssub.s32 @!p1 s13, s14  }
0x17: {  	s14 =	sshrl.u32 @!p1 s15, $0xD;
	s13 =	sadd.s32 @!p1 $0xFFF0BE40, s13  }
0x18: {  	s15 =	sxor.u32 @!p1 $0xFFFFFFFF, s10;
	s14 =	smul.u32 @!p1 $0xF4240, s14;
	s16 =	sshll.u32 @!p1 s13, $0x8  }
0x19: {  	s15 =	sshll.u32 @!p1 s15, $0xD;
	p2 =	sgt.s32 @!p1 s13, $0x7F;
	s13 =	ssub.s32 @!p1 $0x8000, s16  }
0x1a: {  	s12 =	ssub.s32 @!p1 s12, s14;
	p2 =	por !p2, p1;
	s14 =	sand.u32 @!p1 $0x2000, s15  }
0x1b: {  	s15 =	simm.s32 @!p1 $0x40;
	s13 =	sshrl.u32 @!p1 s13, $0x2;
	s12 =	sshll.u32 @!p1 s12, $0x4  }
0x1c: {  	s16 =	simm.s32 @!p1 $0x80;
	s13 =	simm.s32 @!p2 $0x0;
	s12 =	sadd.s32 @!p1 s4, s12  }
0x1d: {  	[tilespmem:s14], [sflag:$0x1] =	stream.strided.gather @!p1 [hbm4b:s12+s15], s13, s16, s15, $0x38;
	[tilespmem:$0x8080] =	vst v63  }
0x1e: {  	p1 =	seq.s32 s10, $0x0  }
0x1f: {  	p2 =	sge.u32 @!p1 s10, s7  }
0x20: {  	p1 =	por p1, p2  }
.Ltmp2:
0x21: {  	_ = 	snop;
	(pc) =	sbr.rel @p1 .LBB1_5-.Ltmp2, $1  }
0x22: {  	_ =	sdelay $0x3  }
0x23: {  	p1 =	sgt.s32 s11, $0xF41C0;
	s12 =	smov.u32 s11;
	s13 =	sshra.s32 s11, $0x1F  }
0x24: {  	s12 =	simm.s32 @!p1 $0xF41C0;
	s13 =	sand.u32 s13, s11  }
0x25: {  	s12 =	ssub.s32 s12, s13  }
0x26: {  	s12 =	sadd.s32 $0xFFF0BE40, s12  }
0x27: {  	s28 =	sshll.u32 s12, $0x8  }
0x28: {  	s13 =	ssub.s32 $0x8000, s28  }
0x29: {  	p1 =	sgt.s32 s12, $0x7F;
	s12 =	sshrl.u32 s13, $0x2  }
0x2a: {  	s13 =	simm.s32 $0x1;
	s12 =	simm.s32 @p1 $0x0  }
0x2b: {  	s13 =	simm.s32 @!p0 $0x0;
	_ =	swait.ge [sflag:s5], s12  }
0x2c: {  	s14 =	sshll.u32 s13, $0xD;
	s12 =	ssub.s32 $0x0, s12;
	[sflag:s5] =	ssyncset.done $0x0  }
0x2d: {  	s16 =	sor.u32 $0x20, s14;
	[sflag:s5] =	ssyncadd.s32 s12  }
0x2e: {  	s29 =	smul.u32 $0x8100, s13;
	v3 =	vld [tilespmem:s16+$0x10]  }
0x2f: {  	s30 =	sand.u32 $0x1, s10;
	v2 =	vld [tilespmem:s16+$0xFFFFFFF0]  }
0x30: {  	s13 =	smul.u32 $0x8100, s30;
	s12 =	sshrl.u32 s29, $0x2;
	v0 =	vld [tilespmem:s16+$0x0]  }
0x31: {  	s14 =	sor.u32 $0x4000, s12;
	v1 =	vld [tilespmem:s16+$0xFFFFFFE0]  }
0x32: {  	s31 =	sshrl.u32 s13, $0x2;
	s13 =	sadd.s32 $0x0, s14  }
0x33: {  	s15 =	simm.s32 $0x4;
	s12 =	sor.u32 $0x4000, s31;
	s16 =	sadd.s32 $0x40, s16;
	[tilespmem:s13+$0x1830 ss:$0x81] =	vst.msk $0xffff, v3  }
.LBB1_3:
0x34: {  	v3 =	vld [tilespmem:s16+$0x10];
	p1 =	sne.s32 s15, $0x1FC;
	[tilespmem:s13+$0x810 ss:$0x81] =	vst.msk $0xffff, v2;
	s17 =	smov.u32 s15;
	s15 =	sadd.s32 $0x4, s15  }
.Ltmp3:
0x35: {  	v2 =	vld [tilespmem:s16+$0xFFFFFFF0];
	[tilespmem:s13+$0x1020 ss:$0x81] =	vst.msk $0xffff, v0;
	(pc) =	sbr.rel @p1 .LBB1_3-.Ltmp3, $4  }
0x36: {  	v0 =	vld [tilespmem:s16+$0x0];
	[tilespmem:s13+$0x0 ss:$0x81] =	vst.msk $0xffff, v1  }
0x37: {  	s13 =	sshra.s32 s17, $0x2;
	v1 =	vld [tilespmem:s16+$0xFFFFFFE0]  }
0x38: {  	s13 =	sadd.s32 s13, s14  }
0x39: {  	s16 =	sadd.s32 $0x40, s16;
	[tilespmem:s13+$0x1830 ss:$0x81] =	vst.msk $0xffff, v3  }
0x3a: {  	s14 =	sshll.u32 s11, $0x3  }
0x3b: {  	s30 =	sand.u32 $0x7F, s11;
	s14 =	sand.u32 $0xFFFFFC00, s14  }
0x3c: {  	s11 =	sor.u32 s30, s14  }
0x3d: {  	s15 =	smulhi.u32 $0x218D6287, s11;
	_ =	sdelay $0x1  }
0x3e: {  	s14 =	smulhi.u32 $0x218D6287, s14;
	s15 =	sshrl.u32 s15, $0x11  }
0x3f: {  	s15 =	smul.u32 $0xF4280, s15  }
0x40: {  	s14 =	sshrl.u32 s14, $0x11  }
.Ltmp4:
0x41: {  	s14 =	sand.u32 $0x3F, s14;
	s11 =	ssub.s32 s11, s15;
	(pc) =	sbr.rel .LBB1_5-.Ltmp4, $4  }
0x42: {  	[tilespmem:s13+$0x810 ss:$0x81] =	vst.msk $0xffff, v2;
	s14 =	smul.u32 $0x1E850, s14;
	s15 =	sshrl.u32 s11, $0x3;
	s11 =	sand.u32 $0x7, s11  }
0x43: {  	[tilespmem:s13+$0x1020 ss:$0x81] =	vst.msk $0xffff, v0;
	s15 =	sadd.s32 s2, s15;
	s11 =	sshll.u32 s11, $0x12  }
0x44: {  	[tilespmem:s13+$0x0 ss:$0x81] =	vst.msk $0xffff, v1;
	s31 =	sadd.s32 s14, s15;
	s11 =	sor.u32 $0x400, s11  }
0x45: {  	[hbm4b:s31+s11] =	stream.strided.scatter [tilespmem:s12], [sflag:$0x2], $0x2000, s8, s11, $0x20;
	[tilespmem:$0x8080] =	vst v63  }
.LBB1_6:
0x46: {  	_ =	sfence.sel $0x180000  }
0x47: {  	s2 =	simm.s32 $0x1;
	[bflag:$0x0] =	sbarrier.arrive $0xFFFF  }
0x48: {  	s31 =	simm.s32 $0x2;
	[sflag:s2] =	ssyncpa.u1 $0x1  }
0x49: {  	[sflag:s31] =	ssyncpa.u1 $0x1  }
0x4a: {  	p0 =	sne.s32 s1, $0x0;
	_ =	strace $0x9000004A  }
0x4b: {  	s0 =	sadd.s32 @!p0 $0x100000, s0;
	[bflag:$0x2] =	sbarrier.arrive $0xFFFF  }
0x4c: {  	[sflag:s0] =	ssyncadd.tile.s32 @!p0 $0x1;
	_ =	shalt  }
.Lfunc_end1:
_tile_overlayer_lowered:
.L_overlay_start_2:
0x4d: {  	(tag) =	ssettag $0x2  }
0x4e: {  	s0 =	rddreg [dreg:$0x0];
	s2 =	stileid.u32  }
0x4f: {  	s1 =	rddreg [dreg:$0x1];
	p0 =	sne.s32 s2, $0x0  }
0x50: {  	s3 =	rddreg [dreg:$0x2];
	[bflag:$0x3] =	sbarrier.arrive $0xFFFF;
	s2 =	simm.s32 @!p0 $0x1C01  }
0x51: {  	[timem:s3], [sflag:s2] =	dma.local @!p0 [hbm:s0], s1  }
0x52: {  	s0 =	simm.s32 @!p0 $0x1  }
0x53: {  	_ =	swait.ge @!p0 [sflag:s0], s1  }
0x54: {  	s1 =	ssub.s32 @!p0 $0x0, s1;
	[sflag:s0] =	ssyncset.done @!p0 $0x0  }
0x55: {  	[sflag:s0] =	ssyncadd.s32 @!p0 s1  }
0x56: {  	[bflag:$0x3] =	sbarrier.arrive $0xFFFF  }
0x57: {  	_ =	shalt  }

</sc_bundles>
